<compile_context>
chip_gen: v7x
topology: tpu7x:2x2x1
jax: 0.10.2.dev20260603
libtpu: 0.0.44.dev20260713+nightly
codegen_flags: <defaults>
</compile_context>

<pallas_src>
import functools

import jax
import jax.numpy as jnp
from jax import lax
from jax.experimental import pallas as pl
from jax.experimental.pallas import tpu as pltpu
from jax.experimental.pallas import tpu_sc as plsc

_N = 16 * 32 * 32
_NW = 32
_CHUNK = _N // _NW
_OUT_CHUNK = 2 * _CHUNK
_LANES = 16
_THRESH = 0.5


def _gate_body(ent_hbm, out_hbm, ent_v, out_v):
    wid = lax.axis_index("s") * 2 + lax.axis_index("c")
    pltpu.sync_copy(ent_hbm.at[pl.ds(wid * _CHUNK, _CHUNK)], ent_v)
    lane = lax.broadcasted_iota(jnp.int32, (_LANES,), 0)
    for j in range(_CHUNK // _LANES):
        e = ent_v[pl.ds(j * _LANES, _LANES)]
        fine = jnp.where(e > _THRESH, jnp.int32(1), jnp.int32(0))
        coarse = jnp.int32(1) - fine
        idx = j * (2 * _LANES) + 2 * lane
        plsc.store_scatter(out_v, [idx], coarse)
        plsc.store_scatter(out_v, [idx + 1], fine)
    pltpu.sync_copy(out_v, out_hbm.at[pl.ds(wid * _OUT_CHUNK, _OUT_CHUNK)])


@jax.jit
def kernel(h_fine, h_coarse, entropy):
    del h_fine, h_coarse
    ent_flat = entropy.reshape(_N)
    gate_flat = pl.kernel(
        _gate_body,
        mesh=plsc.VectorSubcoreMesh(core_axis_name="c", subcore_axis_name="s"),
        out_type=jax.ShapeDtypeStruct((2 * _N,), jnp.int32),
        scratch_types=[
            pltpu.VMEM((_CHUNK,), jnp.float32),
            pltpu.VMEM((_OUT_CHUNK,), jnp.int32),
        ],
        compiler_params=pltpu.CompilerParams(needs_layout_passes=False),
    )(ent_flat)
    return gate_flat.reshape(16, 32, 32, 2)

# --- scband reference (transcript-rebuilt; emitter-appended) ---
"""Pipeline reference for scband-dual-grain-fixed-entropy-router-41961830482423 (READ-ONLY COPY).

The authoritative reference and input builder live on the scoring server;
editing this copy changes nothing except your own understanding.
"""

import jax, jax.numpy as jnp
import numpy as np

# Threshold that would normally be loaded from the JSON percentile file for
# fine_grain_ratito=0.5 (i.e., content['50']). Hardcoded here for a standalone
# reference; with fill='rand' entropy ~ U[0,1), so 0.5 splits tokens ~50/50.
FINE_GRAIN_THRESHOLD = 0.5


def setup_inputs(seed: int = 0) -> dict:
    key = jax.random.key(seed)
    k1, k2, k3 = jax.random.split(key, 3)
    h_fine = jax.random.normal(k1, (16, 256, 32, 32), dtype=jnp.float32)
    h_coarse = jax.random.normal(k2, (16, 256, 16, 16), dtype=jnp.float32)
    entropy = jax.random.uniform(k3, (16, 32, 32), dtype=jnp.float32)
    return {"h_fine": h_fine, "h_coarse": h_coarse, "entropy": entropy}


def reference(h_fine, h_coarse, entropy):
    # gate_fine = (entropy > threshold).bool().long().unsqueeze(-1)
    gate_fine = (entropy > FINE_GRAIN_THRESHOLD).astype(jnp.int64)[..., None]
    # gate_coarse = (entropy <= threshold).bool().long().unsqueeze(-1)
    gate_coarse = (entropy <= FINE_GRAIN_THRESHOLD).astype(jnp.int64)[..., None]
    # gate = torch.cat([gate_coarse, gate_fine], dim=-1)
    gate = jnp.concatenate([gate_coarse, gate_fine], axis=-1)
    return gate

if __name__ == "__main__":
    import jax
    _d = setup_inputs()
    print(jax.jit(kernel)(*tuple(_d.values())))

</pallas_src>

<mosaic_0001>
#map = affine_map<(d0, d1) -> (0)>
module attributes {stable_mosaic.version = 14 : i64} {
  func.func @_gate_body(%arg0: i32, %arg1: i32, %arg2: memref<16384xf32, #tpu.memory_space<hbm>>, %arg3: memref<32768xi32, #tpu.memory_space<hbm>>, %arg4: memref<512xf32, #tpu.memory_space<vmem>>, %arg5: memref<1024xi32, #tpu.memory_space<vmem>>) attributes {dimension_semantics = [#tpu.dimension_semantics<core_parallel>, #tpu.dimension_semantics<subcore_parallel>], iteration_bounds = array<i64: 2, 16>, scalar_prefetch = 0 : i64, scratch_operands = 2 : i64, tpu.core_type = #tpu.core_type<sc_vector_subcore>, window_params = [{transform_indices = #map}, {transform_indices = #map}]} {
    %mul3A = arith.constant 2 : i32
    %mul3A_0 = arith.muli %arg1, %mul3A : i32
    %add3A = arith.addi %mul3A_0, %arg0 : i32
    %mul3A_1 = arith.constant 512 : i32
    %mul3A_2 = arith.muli %add3A, %mul3A_1 : i32
    "tpu.region"() ({
      %run_scoped3A = tpu.sem_alloc : memref<!tpu.dma_semaphore, #tpu.memory_space<semaphore_mem>>
      %dma_start3A = tpu.memref_slice %arg2[%mul3A_2] : memref<16384xf32, #tpu.memory_space<hbm>> -> memref<512xf32, #tpu.memory_space<hbm>>
      %dma_start3A_703 = tpu.memref_slice %arg2[%mul3A_2] : memref<16384xf32, #tpu.memory_space<hbm>> -> memref<512xf32, #tpu.memory_space<hbm>>
      tpu.enqueue_dma source(%dma_start3A_703 : memref<512xf32, #tpu.memory_space<hbm>>) target(%arg4 : memref<512xf32, #tpu.memory_space<vmem>>) target_semaphore(%run_scoped3A : memref<!tpu.dma_semaphore, #tpu.memory_space<semaphore_mem>>)
      %dma_wait3A = tpu.memref_slice %arg2[%mul3A_2] : memref<16384xf32, #tpu.memory_space<hbm>> -> memref<512xf32, #tpu.memory_space<hbm>>
      %dma_wait3A_704 = tpu.memref_slice %arg2[%mul3A_2] : memref<16384xf32, #tpu.memory_space<hbm>> -> memref<512xf32, #tpu.memory_space<hbm>>
      tpu.wait_dma2 semaphore(%run_scoped3A : memref<!tpu.dma_semaphore, #tpu.memory_space<semaphore_mem>>) src(%dma_wait3A_704 : memref<512xf32, #tpu.memory_space<hbm>>) dst(%arg4 : memref<512xf32, #tpu.memory_space<vmem>>)
      tpu.yield
    }) : () -> ()
    %iota3A = tpu.iota {dimensions = array<i32: 0>} : vector<16xi32>
    %get3A = arith.constant 0 : index
    %get3A_3 = tpu.vector_load %arg4[%get3A] {strides = array<i32>} : memref<512xf32, #tpu.memory_space<vmem>>, vector<16xf32>,
    %gt3A = arith.constant 5.000000e-01 : f32
    %gt3A_4 = vector.broadcast %gt3A : f32 to vector<16xf32>
    %gt3A_5 = arith.cmpf ogt, %get3A_3, %gt3A_4 : vector<16xf32>
    %jit3A = arith.constant 1 : i32
    %jit3A_6 = arith.constant 0 : i32
    %broadcast_in_dim3A = vector.broadcast %jit3A : i32 to vector<16xi32>
    %broadcast_in_dim3A_7 = vector.broadcast %jit3A_6 : i32 to vector<16xi32>
    %select_n3A = arith.select %gt3A_5, %broadcast_in_dim3A, %broadcast_in_dim3A_7 : vector<16xi1>, vector<16xi32>
    %sub3A = arith.constant 1 : i32
    %sub3A_8 = vector.broadcast %sub3A : i32 to vector<16xi32>
    %sub3A_9 = arith.subi %sub3A_8, %select_n3A : vector<16xi32>
    %mul3A_10 = arith.constant 2 : i32
    %mul3A_11 = vector.broadcast %mul3A_10 : i32 to vector<16xi32>
    %mul3A_12 = arith.muli %mul3A_11, %iota3A : vector<16xi32>
    %add3A_13 = arith.constant 0 : i32
    %add3A_14 = vector.broadcast %add3A_13 : i32 to vector<16xi32>
    %add3A_15 = arith.addi %add3A_14, %mul3A_12 : vector<16xi32>
    tpu.vector_store_idx %arg5[%add3A_15], %sub3A_9 : memref<1024xi32, #tpu.memory_space<vmem>>[vector<16xi32>], vector<16xi32>,
    %add3A_16 = arith.constant 1 : i32
    %add3A_17 = vector.broadcast %add3A_16 : i32 to vector<16xi32>
    %add3A_18 = arith.addi %add3A_15, %add3A_17 : vector<16xi32>
    tpu.vector_store_idx %arg5[%add3A_18], %select_n3A : memref<1024xi32, #tpu.memory_space<vmem>>[vector<16xi32>], vector<16xi32>,
    %get3A_19 = arith.constant 16 : index
    %get3A_20 = tpu.vector_load %arg4[%get3A_19] {strides = array<i32>} : memref<512xf32, #tpu.memory_space<vmem>>, vector<16xf32>,
    %gt3A_21 = arith.constant 5.000000e-01 : f32
    %gt3A_22 = vector.broadcast %gt3A_21 : f32 to vector<16xf32>
    %gt3A_23 = arith.cmpf ogt, %get3A_20, %gt3A_22 : vector<16xf32>
    %jit3A_24 = arith.constant 1 : i32
    %jit3A_25 = arith.constant 0 : i32
    %broadcast_in_dim3A_26 = vector.broadcast %jit3A_24 : i32 to vector<16xi32>
    %broadcast_in_dim3A_27 = vector.broadcast %jit3A_25 : i32 to vector<16xi32>
    %select_n3A_28 = arith.select %gt3A_23, %broadcast_in_dim3A_26, %broadcast_in_dim3A_27 : vector<16xi1>, vector<16xi32>
    %sub3A_29 = arith.constant 1 : i32
    %sub3A_30 = vector.broadcast %sub3A_29 : i32 to vector<16xi32>
    %sub3A_31 = arith.subi %sub3A_30, %select_n3A_28 : vector<16xi32>
    %mul3A_32 = arith.constant 2 : i32
    %mul3A_33 = vector.broadcast %mul3A_32 : i32 to vector<16xi32>
    %mul3A_34 = arith.muli %mul3A_33, %iota3A : vector<16xi32>
    %add3A_35 = arith.constant 32 : i32
    %add3A_36 = vector.broadcast %add3A_35 : i32 to vector<16xi32>
    %add3A_37 = arith.addi %add3A_36, %mul3A_34 : vector<16xi32>
    tpu.vector_store_idx %arg5[%add3A_37], %sub3A_31 : memref<1024xi32, #tpu.memory_space<vmem>>[vector<16xi32>], vector<16xi32>,
    %add3A_38 = arith.constant 1 : i32
    %add3A_39 = vector.broadcast %add3A_38 : i32 to vector<16xi32>
    %add3A_40 = arith.addi %add3A_37, %add3A_39 : vector<16xi32>
    tpu.vector_store_idx %arg5[%add3A_40], %select_n3A_28 : memref<1024xi32, #tpu.memory_space<vmem>>[vector<16xi32>], vector<16xi32>,
    %get3A_41 = arith.constant 32 : index
    %get3A_42 = tpu.vector_load %arg4[%get3A_41] {strides = array<i32>} : memref<512xf32, #tpu.memory_space<vmem>>, vector<16xf32>,
    %gt3A_43 = arith.constant 5.000000e-01 : f32
    %gt3A_44 = vector.broadcast %gt3A_43 : f32 to vector<16xf32>
    %gt3A_45 = arith.cmpf ogt, %get3A_42, %gt3A_44 : vector<16xf32>
    %jit3A_46 = arith.constant 1 : i32
    %jit3A_47 = arith.constant 0 : i32
    %broadcast_in_dim3A_48 = vector.broadcast %jit3A_46 : i32 to vector<16xi32>
    %broadcast_in_dim3A_49 = vector.broadcast %jit3A_47 : i32 to vector<16xi32>
    %select_n3A_50 = arith.select %gt3A_45, %broadcast_in_dim3A_48, %broadcast_in_dim3A_49 : vector<16xi1>, vector<16xi32>
    %sub3A_51 = arith.constant 1 : i32
    %sub3A_52 = vector.broadcast %sub3A_51 : i32 to vector<16xi32>
    %sub3A_53 = arith.subi %sub3A_52, %select_n3A_50 : vector<16xi32>
    %mul3A_54 = arith.constant 2 : i32
    %mul3A_55 = vector.broadcast %mul3A_54 : i32 to vector<16xi32>
    %mul3A_56 = arith.muli %mul3A_55, %iota3A : vector<16xi32>
    %add3A_57 = arith.constant 64 : i32
    %add3A_58 = vector.broadcast %add3A_57 : i32 to vector<16xi32>
    %add3A_59 = arith.addi %add3A_58, %mul3A_56 : vector<16xi32>
    tpu.vector_store_idx %arg5[%add3A_59], %sub3A_53 : memref<1024xi32, #tpu.memory_space<vmem>>[vector<16xi32>], vector<16xi32>,
    %add3A_60 = arith.constant 1 : i32
    %add3A_61 = vector.broadcast %add3A_60 : i32 to vector<16xi32>
    %add3A_62 = arith.addi %add3A_59, %add3A_61 : vector<16xi32>
    tpu.vector_store_idx %arg5[%add3A_62], %select_n3A_50 : memref<1024xi32, #tpu.memory_space<vmem>>[vector<16xi32>], vector<16xi32>,
    %get3A_63 = arith.constant 48 : index
    %get3A_64 = tpu.vector_load %arg4[%get3A_63] {strides = array<i32>} : memref<512xf32, #tpu.memory_space<vmem>>, vector<16xf32>,
    %gt3A_65 = arith.constant 5.000000e-01 : f32
    %gt3A_66 = vector.broadcast %gt3A_65 : f32 to vector<16xf32>
    %gt3A_67 = arith.cmpf ogt, %get3A_64, %gt3A_66 : vector<16xf32>
    %jit3A_68 = arith.constant 1 : i32
    %jit3A_69 = arith.constant 0 : i32
    %broadcast_in_dim3A_70 = vector.broadcast %jit3A_68 : i32 to vector<16xi32>
    %broadcast_in_dim3A_71 = vector.broadcast %jit3A_69 : i32 to vector<16xi32>
    %select_n3A_72 = arith.select %gt3A_67, %broadcast_in_dim3A_70, %broadcast_in_dim3A_71 : vector<16xi1>, vector<16xi32>
    %sub3A_73 = arith.constant 1 : i32
    %sub3A_74 = vector.broadcast %sub3A_73 : i32 to vector<16xi32>
    %sub3A_75 = arith.subi %sub3A_74, %select_n3A_72 : vector<16xi32>
    %mul3A_76 = arith.constant 2 : i32
    %mul3A_77 = vector.broadcast %mul3A_76 : i32 to vector<16xi32>
    %mul3A_78 = arith.muli %mul3A_77, %iota3A : vector<16xi32>
    %add3A_79 = arith.constant 96 : i32
    %add3A_80 = vector.broadcast %add3A_79 : i32 to vector<16xi32>
    %add3A_81 = arith.addi %add3A_80, %mul3A_78 : vector<16xi32>
    tpu.vector_store_idx %arg5[%add3A_81], %sub3A_75 : memref<1024xi32, #tpu.memory_space<vmem>>[vector<16xi32>], vector<16xi32>,
    %add3A_82 = arith.constant 1 : i32
    %add3A_83 = vector.broadcast %add3A_82 : i32 to vector<16xi32>
    %add3A_84 = arith.addi %add3A_81, %add3A_83 : vector<16xi32>
    tpu.vector_store_idx %arg5[%add3A_84], %select_n3A_72 : memref<1024xi32, #tpu.memory_space<vmem>>[vector<16xi32>], vector<16xi32>,
    %get3A_85 = arith.constant 64 : index
    %get3A_86 = tpu.vector_load %arg4[%get3A_85] {strides = array<i32>} : memref<512xf32, #tpu.memory_space<vmem>>, vector<16xf32>,
    %gt3A_87 = arith.constant 5.000000e-01 : f32
    %gt3A_88 = vector.broadcast %gt3A_87 : f32 to vector<16xf32>
    %gt3A_89 = arith.cmpf ogt, %get3A_86, %gt3A_88 : vector<16xf32>
    %jit3A_90 = arith.constant 1 : i32
    %jit3A_91 = arith.constant 0 : i32
    %broadcast_in_dim3A_92 = vector.broadcast %jit3A_90 : i32 to vector<16xi32>
    %broadcast_in_dim3A_93 = vector.broadcast %jit3A_91 : i32 to vector<16xi32>
    %select_n3A_94 = arith.select %gt3A_89, %broadcast_in_dim3A_92, %broadcast_in_dim3A_93 : vector<16xi1>, vector<16xi32>
    %sub3A_95 = arith.constant 1 : i32
    %sub3A_96 = vector.broadcast %sub3A_95 : i32 to vector<16xi32>
    %sub3A_97 = arith.subi %sub3A_96, %select_n3A_94 : vector<16xi32>
    %mul3A_98 = arith.constant 2 : i32
    %mul3A_99 = vector.broadcast %mul3A_98 : i32 to vector<16xi32>
    %mul3A_100 = arith.muli %mul3A_99, %iota3A : vector<16xi32>
    %add3A_101 = arith.constant 128 : i32
    %add3A_102 = vector.broadcast %add3A_101 : i32 to vector<16xi32>
    %add3A_103 = arith.addi %add3A_102, %mul3A_100 : vector<16xi32>
    tpu.vector_store_idx %arg5[%add3A_103], %sub3A_97 : memref<1024xi32, #tpu.memory_space<vmem>>[vector<16xi32>], vector<16xi32>,
    %add3A_104 = arith.constant 1 : i32
    %add3A_105 = vector.broadcast %add3A_104 : i32 to vector<16xi32>
    %add3A_106 = arith.addi %add3A_103, %add3A_105 : vector<16xi32>
    tpu.vector_store_idx %arg5[%add3A_106], %select_n3A_94 : memref<1024xi32, #tpu.memory_space<vmem>>[vector<16xi32>], vector<16xi32>,
    %get3A_107 = arith.constant 80 : index
    %get3A_108 = tpu.vector_load %arg4[%get3A_107] {strides = array<i32>} : memref<512xf32, #tpu.memory_space<vmem>>, vector<16xf32>,
    %gt3A_109 = arith.constant 5.000000e-01 : f32
    %gt3A_110 = vector.broadcast %gt3A_109 : f32 to vector<16xf32>
    %gt3A_111 = arith.cmpf ogt, %get3A_108, %gt3A_110 : vector<16xf32>
    %jit3A_112 = arith.constant 1 : i32
    %jit3A_113 = arith.constant 0 : i32
    %broadcast_in_dim3A_114 = vector.broadcast %jit3A_112 : i32 to vector<16xi32>
    %broadcast_in_dim3A_115 = vector.broadcast %jit3A_113 : i32 to vector<16xi32>
    %select_n3A_116 = arith.select %gt3A_111, %broadcast_in_dim3A_114, %broadcast_in_dim3A_115 : vector<16xi1>, vector<16xi32>
    %sub3A_117 = arith.constant 1 : i32
    %sub3A_118 = vector.broadcast %sub3A_117 : i32 to vector<16xi32>
    %sub3A_119 = arith.subi %sub3A_118, %select_n3A_116 : vector<16xi32>
    %mul3A_120 = arith.constant 2 : i32
    %mul3A_121 = vector.broadcast %mul3A_120 : i32 to vector<16xi32>
    %mul3A_122 = arith.muli %mul3A_121, %iota3A : vector<16xi32>
    %add3A_123 = arith.constant 160 : i32
    %add3A_124 = vector.broadcast %add3A_123 : i32 to vector<16xi32>
    %add3A_125 = arith.addi %add3A_124, %mul3A_122 : vector<16xi32>
    tpu.vector_store_idx %arg5[%add3A_125], %sub3A_119 : memref<1024xi32, #tpu.memory_space<vmem>>[vector<16xi32>], vector<16xi32>,
    %add3A_126 = arith.constant 1 : i32
    %add3A_127 = vector.broadcast %add3A_126 : i32 to vector<16xi32>
    %add3A_128 = arith.addi %add3A_125, %add3A_127 : vector<16xi32>
    tpu.vector_store_idx %arg5[%add3A_128], %select_n3A_116 : memref<1024xi32, #tpu.memory_space<vmem>>[vector<16xi32>], vector<16xi32>,
    %get3A_129 = arith.constant 96 : index
    %get3A_130 = tpu.vector_load %arg4[%get3A_129] {strides = array<i32>} : memref<512xf32, #tpu.memory_space<vmem>>, vector<16xf32>,
    %gt3A_131 = arith.constant 5.000000e-01 : f32
    %gt3A_132 = vector.broadcast %gt3A_131 : f32 to vector<16xf32>
    %gt3A_133 = arith.cmpf ogt, %get3A_130, %gt3A_132 : vector<16xf32>
    %jit3A_134 = arith.constant 1 : i32
    %jit3A_135 = arith.constant 0 : i32
    %broadcast_in_dim3A_136 = vector.broadcast %jit3A_134 : i32 to vector<16xi32>
    %broadcast_in_dim3A_137 = vector.broadcast %jit3A_135 : i32 to vector<16xi32>
    %select_n3A_138 = arith.select %gt3A_133, %broadcast_in_dim3A_136, %broadcast_in_dim3A_137 : vector<16xi1>, vector<16xi32>
    %sub3A_139 = arith.constant 1 : i32
    %sub3A_140 = vector.broadcast %sub3A_139 : i32 to vector<16xi32>
    %sub3A_141 = arith.subi %sub3A_140, %select_n3A_138 : vector<16xi32>
    %mul3A_142 = arith.constant 2 : i32
    %mul3A_143 = vector.broadcast %mul3A_142 : i32 to vector<16xi32>
    %mul3A_144 = arith.muli %mul3A_143, %iota3A : vector<16xi32>
    %add3A_145 = arith.constant 192 : i32
    %add3A_146 = vector.broadcast %add3A_145 : i32 to vector<16xi32>
    %add3A_147 = arith.addi %add3A_146, %mul3A_144 : vector<16xi32>
    tpu.vector_store_idx %arg5[%add3A_147], %sub3A_141 : memref<1024xi32, #tpu.memory_space<vmem>>[vector<16xi32>], vector<16xi32>,
    %add3A_148 = arith.constant 1 : i32
    %add3A_149 = vector.broadcast %add3A_148 : i32 to vector<16xi32>
    %add3A_150 = arith.addi %add3A_147, %add3A_149 : vector<16xi32>
    tpu.vector_store_idx %arg5[%add3A_150], %select_n3A_138 : memref<1024xi32, #tpu.memory_space<vmem>>[vector<16xi32>], vector<16xi32>,
    %get3A_151 = arith.constant 112 : index
    %get3A_152 = tpu.vector_load %arg4[%get3A_151] {strides = array<i32>} : memref<512xf32, #tpu.memory_space<vmem>>, vector<16xf32>,
    %gt3A_153 = arith.constant 5.000000e-01 : f32
    %gt3A_154 = vector.broadcast %gt3A_153 : f32 to vector<16xf32>
    %gt3A_155 = arith.cmpf ogt, %get3A_152, %gt3A_154 : vector<16xf32>
    %jit3A_156 = arith.constant 1 : i32
    %jit3A_157 = arith.constant 0 : i32
    %broadcast_in_dim3A_158 = vector.broadcast %jit3A_156 : i32 to vector<16xi32>
    %broadcast_in_dim3A_159 = vector.broadcast %jit3A_157 : i32 to vector<16xi32>
    %select_n3A_160 = arith.select %gt3A_155, %broadcast_in_dim3A_158, %broadcast_in_dim3A_159 : vector<16xi1>, vector<16xi32>
    %sub3A_161 = arith.constant 1 : i32
    %sub3A_162 = vector.broadcast %sub3A_161 : i32 to vector<16xi32>
    %sub3A_163 = arith.subi %sub3A_162, %select_n3A_160 : vector<16xi32>
    %mul3A_164 = arith.constant 2 : i32
    %mul3A_165 = vector.broadcast %mul3A_164 : i32 to vector<16xi32>
    %mul3A_166 = arith.muli %mul3A_165, %iota3A : vector<16xi32>
    %add3A_167 = arith.constant 224 : i32
    %add3A_168 = vector.broadcast %add3A_167 : i32 to vector<16xi32>
    %add3A_169 = arith.addi %add3A_168, %mul3A_166 : vector<16xi32>
    tpu.vector_store_idx %arg5[%add3A_169], %sub3A_163 : memref<1024xi32, #tpu.memory_space<vmem>>[vector<16xi32>], vector<16xi32>,
    %add3A_170 = arith.constant 1 : i32
    %add3A_171 = vector.broadcast %add3A_170 : i32 to vector<16xi32>
    %add3A_172 = arith.addi %add3A_169, %add3A_171 : vector<16xi32>
    tpu.vector_store_idx %arg5[%add3A_172], %select_n3A_160 : memref<1024xi32, #tpu.memory_space<vmem>>[vector<16xi32>], vector<16xi32>,
    %get3A_173 = arith.constant 128 : index
    %get3A_174 = tpu.vector_load %arg4[%get3A_173] {strides = array<i32>} : memref<512xf32, #tpu.memory_space<vmem>>, vector<16xf32>,
    %gt3A_175 = arith.constant 5.000000e-01 : f32
    %gt3A_176 = vector.broadcast %gt3A_175 : f32 to vector<16xf32>
    %gt3A_177 = arith.cmpf ogt, %get3A_174, %gt3A_176 : vector<16xf32>
    %jit3A_178 = arith.constant 1 : i32
    %jit3A_179 = arith.constant 0 : i32
    %broadcast_in_dim3A_180 = vector.broadcast %jit3A_178 : i32 to vector<16xi32>
    %broadcast_in_dim3A_181 = vector.broadcast %jit3A_179 : i32 to vector<16xi32>
    %select_n3A_182 = arith.select %gt3A_177, %broadcast_in_dim3A_180, %broadcast_in_dim3A_181 : vector<16xi1>, vector<16xi32>
    %sub3A_183 = arith.constant 1 : i32
    %sub3A_184 = vector.broadcast %sub3A_183 : i32 to vector<16xi32>
    %sub3A_185 = arith.subi %sub3A_184, %select_n3A_182 : vector<16xi32>
    %mul3A_186 = arith.constant 2 : i32
    %mul3A_187 = vector.broadcast %mul3A_186 : i32 to vector<16xi32>
    %mul3A_188 = arith.muli %mul3A_187, %iota3A : vector<16xi32>
    %add3A_189 = arith.constant 256 : i32
    %add3A_190 = vector.broadcast %add3A_189 : i32 to vector<16xi32>
    %add3A_191 = arith.addi %add3A_190, %mul3A_188 : vector<16xi32>
    tpu.vector_store_idx %arg5[%add3A_191], %sub3A_185 : memref<1024xi32, #tpu.memory_space<vmem>>[vector<16xi32>], vector<16xi32>,
    %add3A_192 = arith.constant 1 : i32
    %add3A_193 = vector.broadcast %add3A_192 : i32 to vector<16xi32>
    %add3A_194 = arith.addi %add3A_191, %add3A_193 : vector<16xi32>
    tpu.vector_store_idx %arg5[%add3A_194], %select_n3A_182 : memref<1024xi32, #tpu.memory_space<vmem>>[vector<16xi32>], vector<16xi32>,
    %get3A_195 = arith.constant 144 : index
    %get3A_196 = tpu.vector_load %arg4[%get3A_195] {strides = array<i32>} : memref<512xf32, #tpu.memory_space<vmem>>, vector<16xf32>,
    %gt3A_197 = arith.constant 5.000000e-01 : f32
    %gt3A_198 = vector.broadcast %gt3A_197 : f32 to vector<16xf32>
    %gt3A_199 = arith.cmpf ogt, %get3A_196, %gt3A_198 : vector<16xf32>
    %jit3A_200 = arith.constant 1 : i32
    %jit3A_201 = arith.constant 0 : i32
    %broadcast_in_dim3A_202 = vector.broadcast %jit3A_200 : i32 to vector<16xi32>
    %broadcast_in_dim3A_203 = vector.broadcast %jit3A_201 : i32 to vector<16xi32>
    %select_n3A_204 = arith.select %gt3A_199, %broadcast_in_dim3A_202, %broadcast_in_dim3A_203 : vector<16xi1>, vector<16xi32>
    %sub3A_205 = arith.constant 1 : i32
    %sub3A_206 = vector.broadcast %sub3A_205 : i32 to vector<16xi32>
    %sub3A_207 = arith.subi %sub3A_206, %select_n3A_204 : vector<16xi32>
    %mul3A_208 = arith.constant 2 : i32
    %mul3A_209 = vector.broadcast %mul3A_208 : i32 to vector<16xi32>
    %mul3A_210 = arith.muli %mul3A_209, %iota3A : vector<16xi32>
    %add3A_211 = arith.constant 288 : i32
    %add3A_212 = vector.broadcast %add3A_211 : i32 to vector<16xi32>
    %add3A_213 = arith.addi %add3A_212, %mul3A_210 : vector<16xi32>
    tpu.vector_store_idx %arg5[%add3A_213], %sub3A_207 : memref<1024xi32, #tpu.memory_space<vmem>>[vector<16xi32>], vector<16xi32>,
    %add3A_214 = arith.constant 1 : i32
    %add3A_215 = vector.broadcast %add3A_214 : i32 to vector<16xi32>
    %add3A_216 = arith.addi %add3A_213, %add3A_215 : vector<16xi32>
    tpu.vector_store_idx %arg5[%add3A_216], %select_n3A_204 : memref<1024xi32, #tpu.memory_space<vmem>>[vector<16xi32>], vector<16xi32>,
    %get3A_217 = arith.constant 160 : index
    %get3A_218 = tpu.vector_load %arg4[%get3A_217] {strides = array<i32>} : memref<512xf32, #tpu.memory_space<vmem>>, vector<16xf32>,
    %gt3A_219 = arith.constant 5.000000e-01 : f32
    %gt3A_220 = vector.broadcast %gt3A_219 : f32 to vector<16xf32>
    %gt3A_221 = arith.cmpf ogt, %get3A_218, %gt3A_220 : vector<16xf32>
    %jit3A_222 = arith.constant 1 : i32
    %jit3A_223 = arith.constant 0 : i32
    %broadcast_in_dim3A_224 = vector.broadcast %jit3A_222 : i32 to vector<16xi32>
    %broadcast_in_dim3A_225 = vector.broadcast %jit3A_223 : i32 to vector<16xi32>
    %select_n3A_226 = arith.select %gt3A_221, %broadcast_in_dim3A_224, %broadcast_in_dim3A_225 : vector<16xi1>, vector<16xi32>
    %sub3A_227 = arith.constant 1 : i32
    %sub3A_228 = vector.broadcast %sub3A_227 : i32 to vector<16xi32>
    %sub3A_229 = arith.subi %sub3A_228, %select_n3A_226 : vector<16xi32>
    %mul3A_230 = arith.constant 2 : i32
    %mul3A_231 = vector.broadcast %mul3A_230 : i32 to vector<16xi32>
    %mul3A_232 = arith.muli %mul3A_231, %iota3A : vector<16xi32>
    %add3A_233 = arith.constant 320 : i32
    %add3A_234 = vector.broadcast %add3A_233 : i32 to vector<16xi32>
    %add3A_235 = arith.addi %add3A_234, %mul3A_232 : vector<16xi32>
    tpu.vector_store_idx %arg5[%add3A_235], %sub3A_229 : memref<1024xi32, #tpu.memory_space<vmem>>[vector<16xi32>], vector<16xi32>,
    %add3A_236 = arith.constant 1 : i32
    %add3A_237 = vector.broadcast %add3A_236 : i32 to vector<16xi32>
    %add3A_238 = arith.addi %add3A_235, %add3A_237 : vector<16xi32>
    tpu.vector_store_idx %arg5[%add3A_238], %select_n3A_226 : memref<1024xi32, #tpu.memory_space<vmem>>[vector<16xi32>], vector<16xi32>,
    %get3A_239 = arith.constant 176 : index
    %get3A_240 = tpu.vector_load %arg4[%get3A_239] {strides = array<i32>} : memref<512xf32, #tpu.memory_space<vmem>>, vector<16xf32>,
    %gt3A_241 = arith.constant 5.000000e-01 : f32
    %gt3A_242 = vector.broadcast %gt3A_241 : f32 to vector<16xf32>
    %gt3A_243 = arith.cmpf ogt, %get3A_240, %gt3A_242 : vector<16xf32>
    %jit3A_244 = arith.constant 1 : i32
    %jit3A_245 = arith.constant 0 : i32
    %broadcast_in_dim3A_246 = vector.broadcast %jit3A_244 : i32 to vector<16xi32>
    %broadcast_in_dim3A_247 = vector.broadcast %jit3A_245 : i32 to vector<16xi32>
    %select_n3A_248 = arith.select %gt3A_243, %broadcast_in_dim3A_246, %broadcast_in_dim3A_247 : vector<16xi1>, vector<16xi32>
    %sub3A_249 = arith.constant 1 : i32
    %sub3A_250 = vector.broadcast %sub3A_249 : i32 to vector<16xi32>
    %sub3A_251 = arith.subi %sub3A_250, %select_n3A_248 : vector<16xi32>
    %mul3A_252 = arith.constant 2 : i32
    %mul3A_253 = vector.broadcast %mul3A_252 : i32 to vector<16xi32>
    %mul3A_254 = arith.muli %mul3A_253, %iota3A : vector<16xi32>
    %add3A_255 = arith.constant 352 : i32
    %add3A_256 = vector.broadcast %add3A_255 : i32 to vector<16xi32>
    %add3A_257 = arith.addi %add3A_256, %mul3A_254 : vector<16xi32>
    tpu.vector_store_idx %arg5[%add3A_257], %sub3A_251 : memref<1024xi32, #tpu.memory_space<vmem>>[vector<16xi32>], vector<16xi32>,
    %add3A_258 = arith.constant 1 : i32
    %add3A_259 = vector.broadcast %add3A_258 : i32 to vector<16xi32>
    %add3A_260 = arith.addi %add3A_257, %add3A_259 : vector<16xi32>
    tpu.vector_store_idx %arg5[%add3A_260], %select_n3A_248 : memref<1024xi32, #tpu.memory_space<vmem>>[vector<16xi32>], vector<16xi32>,
    %get3A_261 = arith.constant 192 : index
    %get3A_262 = tpu.vector_load %arg4[%get3A_261] {strides = array<i32>} : memref<512xf32, #tpu.memory_space<vmem>>, vector<16xf32>,
    %gt3A_263 = arith.constant 5.000000e-01 : f32
    %gt3A_264 = vector.broadcast %gt3A_263 : f32 to vector<16xf32>
    %gt3A_265 = arith.cmpf ogt, %get3A_262, %gt3A_264 : vector<16xf32>
    %jit3A_266 = arith.constant 1 : i32
    %jit3A_267 = arith.constant 0 : i32
    %broadcast_in_dim3A_268 = vector.broadcast %jit3A_266 : i32 to vector<16xi32>
    %broadcast_in_dim3A_269 = vector.broadcast %jit3A_267 : i32 to vector<16xi32>
    %select_n3A_270 = arith.select %gt3A_265, %broadcast_in_dim3A_268, %broadcast_in_dim3A_269 : vector<16xi1>, vector<16xi32>
    %sub3A_271 = arith.constant 1 : i32
    %sub3A_272 = vector.broadcast %sub3A_271 : i32 to vector<16xi32>
    %sub3A_273 = arith.subi %sub3A_272, %select_n3A_270 : vector<16xi32>
    %mul3A_274 = arith.constant 2 : i32
    %mul3A_275 = vector.broadcast %mul3A_274 : i32 to vector<16xi32>
    %mul3A_276 = arith.muli %mul3A_275, %iota3A : vector<16xi32>
    %add3A_277 = arith.constant 384 : i32
    %add3A_278 = vector.broadcast %add3A_277 : i32 to vector<16xi32>
    %add3A_279 = arith.addi %add3A_278, %mul3A_276 : vector<16xi32>
    tpu.vector_store_idx %arg5[%add3A_279], %sub3A_273 : memref<1024xi32, #tpu.memory_space<vmem>>[vector<16xi32>], vector<16xi32>,
    %add3A_280 = arith.constant 1 : i32
    %add3A_281 = vector.broadcast %add3A_280 : i32 to vector<16xi32>
    %add3A_282 = arith.addi %add3A_279, %add3A_281 : vector<16xi32>
    tpu.vector_store_idx %arg5[%add3A_282], %select_n3A_270 : memref<1024xi32, #tpu.memory_space<vmem>>[vector<16xi32>], vector<16xi32>,
    %get3A_283 = arith.constant 208 : index
    %get3A_284 = tpu.vector_load %arg4[%get3A_283] {strides = array<i32>} : memref<512xf32, #tpu.memory_space<vmem>>, vector<16xf32>,
    %gt3A_285 = arith.constant 5.000000e-01 : f32
    %gt3A_286 = vector.broadcast %gt3A_285 : f32 to vector<16xf32>
    %gt3A_287 = arith.cmpf ogt, %get3A_284, %gt3A_286 : vector<16xf32>
    %jit3A_288 = arith.constant 1 : i32
    %jit3A_289 = arith.constant 0 : i32
    %broadcast_in_dim3A_290 = vector.broadcast %jit3A_288 : i32 to vector<16xi32>
    %broadcast_in_dim3A_291 = vector.broadcast %jit3A_289 : i32 to vector<16xi32>
    %select_n3A_292 = arith.select %gt3A_287, %broadcast_in_dim3A_290, %broadcast_in_dim3A_291 : vector<16xi1>, vector<16xi32>
    %sub3A_293 = arith.constant 1 : i32
    %sub3A_294 = vector.broadcast %sub3A_293 : i32 to vector<16xi32>
    %sub3A_295 = arith.subi %sub3A_294, %select_n3A_292 : vector<16xi32>
    %mul3A_296 = arith.constant 2 : i32
    %mul3A_297 = vector.broadcast %mul3A_296 : i32 to vector<16xi32>
    %mul3A_298 = arith.muli %mul3A_297, %iota3A : vector<16xi32>
    %add3A_299 = arith.constant 416 : i32
    %add3A_300 = vector.broadcast %add3A_299 : i32 to vector<16xi32>
    %add3A_301 = arith.addi %add3A_300, %mul3A_298 : vector<16xi32>
    tpu.vector_store_idx %arg5[%add3A_301], %sub3A_295 : memref<1024xi32, #tpu.memory_space<vmem>>[vector<16xi32>], vector<16xi32>,
    %add3A_302 = arith.constant 1 : i32
    %add3A_303 = vector.broadcast %add3A_302 : i32 to vector<16xi32>
    %add3A_304 = arith.addi %add3A_301, %add3A_303 : vector<16xi32>
    tpu.vector_store_idx %arg5[%add3A_304], %select_n3A_292 : memref<1024xi32, #tpu.memory_space<vmem>>[vector<16xi32>], vector<16xi32>,
    %get3A_305 = arith.constant 224 : index
    %get3A_306 = tpu.vector_load %arg4[%get3A_305] {strides = array<i32>} : memref<512xf32, #tpu.memory_space<vmem>>, vector<16xf32>,
    %gt3A_307 = arith.constant 5.000000e-01 : f32
    %gt3A_308 = vector.broadcast %gt3A_307 : f32 to vector<16xf32>
    %gt3A_309 = arith.cmpf ogt, %get3A_306, %gt3A_308 : vector<16xf32>
    %jit3A_310 = arith.constant 1 : i32
    %jit3A_311 = arith.constant 0 : i32
    %broadcast_in_dim3A_312 = vector.broadcast %jit3A_310 : i32 to vector<16xi32>
    %broadcast_in_dim3A_313 = vector.broadcast %jit3A_311 : i32 to vector<16xi32>
    %select_n3A_314 = arith.select %gt3A_309, %broadcast_in_dim3A_312, %broadcast_in_dim3A_313 : vector<16xi1>, vector<16xi32>
    %sub3A_315 = arith.constant 1 : i32
    %sub3A_316 = vector.broadcast %sub3A_315 : i32 to vector<16xi32>
    %sub3A_317 = arith.subi %sub3A_316, %select_n3A_314 : vector<16xi32>
    %mul3A_318 = arith.constant 2 : i32
    %mul3A_319 = vector.broadcast %mul3A_318 : i32 to vector<16xi32>
    %mul3A_320 = arith.muli %mul3A_319, %iota3A : vector<16xi32>
    %add3A_321 = arith.constant 448 : i32
    %add3A_322 = vector.broadcast %add3A_321 : i32 to vector<16xi32>
    %add3A_323 = arith.addi %add3A_322, %mul3A_320 : vector<16xi32>
    tpu.vector_store_idx %arg5[%add3A_323], %sub3A_317 : memref<1024xi32, #tpu.memory_space<vmem>>[vector<16xi32>], vector<16xi32>,
    %add3A_324 = arith.constant 1 : i32
    %add3A_325 = vector.broadcast %add3A_324 : i32 to vector<16xi32>
    %add3A_326 = arith.addi %add3A_323, %add3A_325 : vector<16xi32>
    tpu.vector_store_idx %arg5[%add3A_326], %select_n3A_314 : memref<1024xi32, #tpu.memory_space<vmem>>[vector<16xi32>], vector<16xi32>,
    %get3A_327 = arith.constant 240 : index
    %get3A_328 = tpu.vector_load %arg4[%get3A_327] {strides = array<i32>} : memref<512xf32, #tpu.memory_space<vmem>>, vector<16xf32>,
    %gt3A_329 = arith.constant 5.000000e-01 : f32
    %gt3A_330 = vector.broadcast %gt3A_329 : f32 to vector<16xf32>
    %gt3A_331 = arith.cmpf ogt, %get3A_328, %gt3A_330 : vector<16xf32>
    %jit3A_332 = arith.constant 1 : i32
    %jit3A_333 = arith.constant 0 : i32
    %broadcast_in_dim3A_334 = vector.broadcast %jit3A_332 : i32 to vector<16xi32>
    %broadcast_in_dim3A_335 = vector.broadcast %jit3A_333 : i32 to vector<16xi32>
    %select_n3A_336 = arith.select %gt3A_331, %broadcast_in_dim3A_334, %broadcast_in_dim3A_335 : vector<16xi1>, vector<16xi32>
    %sub3A_337 = arith.constant 1 : i32
    %sub3A_338 = vector.broadcast %sub3A_337 : i32 to vector<16xi32>
    %sub3A_339 = arith.subi %sub3A_338, %select_n3A_336 : vector<16xi32>
    %mul3A_340 = arith.constant 2 : i32
    %mul3A_341 = vector.broadcast %mul3A_340 : i32 to vector<16xi32>
    %mul3A_342 = arith.muli %mul3A_341, %iota3A : vector<16xi32>
    %add3A_343 = arith.constant 480 : i32
    %add3A_344 = vector.broadcast %add3A_343 : i32 to vector<16xi32>
    %add3A_345 = arith.addi %add3A_344, %mul3A_342 : vector<16xi32>
    tpu.vector_store_idx %arg5[%add3A_345], %sub3A_339 : memref<1024xi32, #tpu.memory_space<vmem>>[vector<16xi32>], vector<16xi32>,
    %add3A_346 = arith.constant 1 : i32
    %add3A_347 = vector.broadcast %add3A_346 : i32 to vector<16xi32>
    %add3A_348 = arith.addi %add3A_345, %add3A_347 : vector<16xi32>
    tpu.vector_store_idx %arg5[%add3A_348], %select_n3A_336 : memref<1024xi32, #tpu.memory_space<vmem>>[vector<16xi32>], vector<16xi32>,
    %get3A_349 = arith.constant 256 : index
    %get3A_350 = tpu.vector_load %arg4[%get3A_349] {strides = array<i32>} : memref<512xf32, #tpu.memory_space<vmem>>, vector<16xf32>,
    %gt3A_351 = arith.constant 5.000000e-01 : f32
    %gt3A_352 = vector.broadcast %gt3A_351 : f32 to vector<16xf32>
    %gt3A_353 = arith.cmpf ogt, %get3A_350, %gt3A_352 : vector<16xf32>
    %jit3A_354 = arith.constant 1 : i32
    %jit3A_355 = arith.constant 0 : i32
    %broadcast_in_dim3A_356 = vector.broadcast %jit3A_354 : i32 to vector<16xi32>
    %broadcast_in_dim3A_357 = vector.broadcast %jit3A_355 : i32 to vector<16xi32>
    %select_n3A_358 = arith.select %gt3A_353, %broadcast_in_dim3A_356, %broadcast_in_dim3A_357 : vector<16xi1>, vector<16xi32>
    %sub3A_359 = arith.constant 1 : i32
    %sub3A_360 = vector.broadcast %sub3A_359 : i32 to vector<16xi32>
    %sub3A_361 = arith.subi %sub3A_360, %select_n3A_358 : vector<16xi32>
    %mul3A_362 = arith.constant 2 : i32
    %mul3A_363 = vector.broadcast %mul3A_362 : i32 to vector<16xi32>
    %mul3A_364 = arith.muli %mul3A_363, %iota3A : vector<16xi32>
    %add3A_365 = arith.constant 512 : i32
    %add3A_366 = vector.broadcast %add3A_365 : i32 to vector<16xi32>
    %add3A_367 = arith.addi %add3A_366, %mul3A_364 : vector<16xi32>
    tpu.vector_store_idx %arg5[%add3A_367], %sub3A_361 : memref<1024xi32, #tpu.memory_space<vmem>>[vector<16xi32>], vector<16xi32>,
    %add3A_368 = arith.constant 1 : i32
    %add3A_369 = vector.broadcast %add3A_368 : i32 to vector<16xi32>
    %add3A_370 = arith.addi %add3A_367, %add3A_369 : vector<16xi32>
    tpu.vector_store_idx %arg5[%add3A_370], %select_n3A_358 : memref<1024xi32, #tpu.memory_space<vmem>>[vector<16xi32>], vector<16xi32>,
    %get3A_371 = arith.constant 272 : index
    %get3A_372 = tpu.vector_load %arg4[%get3A_371] {strides = array<i32>} : memref<512xf32, #tpu.memory_space<vmem>>, vector<16xf32>,
    %gt3A_373 = arith.constant 5.000000e-01 : f32
    %gt3A_374 = vector.broadcast %gt3A_373 : f32 to vector<16xf32>
    %gt3A_375 = arith.cmpf ogt, %get3A_372, %gt3A_374 : vector<16xf32>
    %jit3A_376 = arith.constant 1 : i32
    %jit3A_377 = arith.constant 0 : i32
    %broadcast_in_dim3A_378 = vector.broadcast %jit3A_376 : i32 to vector<16xi32>
    %broadcast_in_dim3A_379 = vector.broadcast %jit3A_377 : i32 to vector<16xi32>
    %select_n3A_380 = arith.select %gt3A_375, %broadcast_in_dim3A_378, %broadcast_in_dim3A_379 : vector<16xi1>, vector<16xi32>
    %sub3A_381 = arith.constant 1 : i32
    %sub3A_382 = vector.broadcast %sub3A_381 : i32 to vector<16xi32>
    %sub3A_383 = arith.subi %sub3A_382, %select_n3A_380 : vector<16xi32>
    %mul3A_384 = arith.constant 2 : i32
    %mul3A_385 = vector.broadcast %mul3A_384 : i32 to vector<16xi32>
    %mul3A_386 = arith.muli %mul3A_385, %iota3A : vector<16xi32>
    %add3A_387 = arith.constant 544 : i32
    %add3A_388 = vector.broadcast %add3A_387 : i32 to vector<16xi32>
    %add3A_389 = arith.addi %add3A_388, %mul3A_386 : vector<16xi32>
    tpu.vector_store_idx %arg5[%add3A_389], %sub3A_383 : memref<1024xi32, #tpu.memory_space<vmem>>[vector<16xi32>], vector<16xi32>,
    %add3A_390 = arith.constant 1 : i32
    %add3A_391 = vector.broadcast %add3A_390 : i32 to vector<16xi32>
    %add3A_392 = arith.addi %add3A_389, %add3A_391 : vector<16xi32>
    tpu.vector_store_idx %arg5[%add3A_392], %select_n3A_380 : memref<1024xi32, #tpu.memory_space<vmem>>[vector<16xi32>], vector<16xi32>,
    %get3A_393 = arith.constant 288 : index
    %get3A_394 = tpu.vector_load %arg4[%get3A_393] {strides = array<i32>} : memref<512xf32, #tpu.memory_space<vmem>>, vector<16xf32>,
    %gt3A_395 = arith.constant 5.000000e-01 : f32
    %gt3A_396 = vector.broadcast %gt3A_395 : f32 to vector<16xf32>
    %gt3A_397 = arith.cmpf ogt, %get3A_394, %gt3A_396 : vector<16xf32>
    %jit3A_398 = arith.constant 1 : i32
    %jit3A_399 = arith.constant 0 : i32
    %broadcast_in_dim3A_400 = vector.broadcast %jit3A_398 : i32 to vector<16xi32>
    %broadcast_in_dim3A_401 = vector.broadcast %jit3A_399 : i32 to vector<16xi32>
    %select_n3A_402 = arith.select %gt3A_397, %broadcast_in_dim3A_400, %broadcast_in_dim3A_401 : vector<16xi1>, vector<16xi32>
    %sub3A_403 = arith.constant 1 : i32
    %sub3A_404 = vector.broadcast %sub3A_403 : i32 to vector<16xi32>
    %sub3A_405 = arith.subi %sub3A_404, %select_n3A_402 : vector<16xi32>
    %mul3A_406 = arith.constant 2 : i32
    %mul3A_407 = vector.broadcast %mul3A_406 : i32 to vector<16xi32>
    %mul3A_408 = arith.muli %mul3A_407, %iota3A : vector<16xi32>
    %add3A_409 = arith.constant 576 : i32
    %add3A_410 = vector.broadcast %add3A_409 : i32 to vector<16xi32>
    %add3A_411 = arith.addi %add3A_410, %mul3A_408 : vector<16xi32>
    tpu.vector_store_idx %arg5[%add3A_411], %sub3A_405 : memref<1024xi32, #tpu.memory_space<vmem>>[vector<16xi32>], vector<16xi32>,
    %add3A_412 = arith.constant 1 : i32
    %add3A_413 = vector.broadcast %add3A_412 : i32 to vector<16xi32>
    %add3A_414 = arith.addi %add3A_411, %add3A_413 : vector<16xi32>
    tpu.vector_store_idx %arg5[%add3A_414], %select_n3A_402 : memref<1024xi32, #tpu.memory_space<vmem>>[vector<16xi32>], vector<16xi32>,
    %get3A_415 = arith.constant 304 : index
    %get3A_416 = tpu.vector_load %arg4[%get3A_415] {strides = array<i32>} : memref<512xf32, #tpu.memory_space<vmem>>, vector<16xf32>,
    %gt3A_417 = arith.constant 5.000000e-01 : f32
    %gt3A_418 = vector.broadcast %gt3A_417 : f32 to vector<16xf32>
    %gt3A_419 = arith.cmpf ogt, %get3A_416, %gt3A_418 : vector<16xf32>
    %jit3A_420 = arith.constant 1 : i32
    %jit3A_421 = arith.constant 0 : i32
    %broadcast_in_dim3A_422 = vector.broadcast %jit3A_420 : i32 to vector<16xi32>
    %broadcast_in_dim3A_423 = vector.broadcast %jit3A_421 : i32 to vector<16xi32>
    %select_n3A_424 = arith.select %gt3A_419, %broadcast_in_dim3A_422, %broadcast_in_dim3A_423 : vector<16xi1>, vector<16xi32>
    %sub3A_425 = arith.constant 1 : i32
    %sub3A_426 = vector.broadcast %sub3A_425 : i32 to vector<16xi32>
    %sub3A_427 = arith.subi %sub3A_426, %select_n3A_424 : vector<16xi32>
    %mul3A_428 = arith.constant 2 : i32
    %mul3A_429 = vector.broadcast %mul3A_428 : i32 to vector<16xi32>
    %mul3A_430 = arith.muli %mul3A_429, %iota3A : vector<16xi32>
    %add3A_431 = arith.constant 608 : i32
    %add3A_432 = vector.broadcast %add3A_431 : i32 to vector<16xi32>
    %add3A_433 = arith.addi %add3A_432, %mul3A_430 : vector<16xi32>
    tpu.vector_store_idx %arg5[%add3A_433], %sub3A_427 : memref<1024xi32, #tpu.memory_space<vmem>>[vector<16xi32>], vector<16xi32>,
    %add3A_434 = arith.constant 1 : i32
    %add3A_435 = vector.broadcast %add3A_434 : i32 to vector<16xi32>
    %add3A_436 = arith.addi %add3A_433, %add3A_435 : vector<16xi32>
    tpu.vector_store_idx %arg5[%add3A_436], %select_n3A_424 : memref<1024xi32, #tpu.memory_space<vmem>>[vector<16xi32>], vector<16xi32>,
    %get3A_437 = arith.constant 320 : index
    %get3A_438 = tpu.vector_load %arg4[%get3A_437] {strides = array<i32>} : memref<512xf32, #tpu.memory_space<vmem>>, vector<16xf32>,
    %gt3A_439 = arith.constant 5.000000e-01 : f32
    %gt3A_440 = vector.broadcast %gt3A_439 : f32 to vector<16xf32>
    %gt3A_441 = arith.cmpf ogt, %get3A_438, %gt3A_440 : vector<16xf32>
    %jit3A_442 = arith.constant 1 : i32
    %jit3A_443 = arith.constant 0 : i32
    %broadcast_in_dim3A_444 = vector.broadcast %jit3A_442 : i32 to vector<16xi32>
    %broadcast_in_dim3A_445 = vector.broadcast %jit3A_443 : i32 to vector<16xi32>
    %select_n3A_446 = arith.select %gt3A_441, %broadcast_in_dim3A_444, %broadcast_in_dim3A_445 : vector<16xi1>, vector<16xi32>
    %sub3A_447 = arith.constant 1 : i32
    %sub3A_448 = vector.broadcast %sub3A_447 : i32 to vector<16xi32>
    %sub3A_449 = arith.subi %sub3A_448, %select_n3A_446 : vector<16xi32>
    %mul3A_450 = arith.constant 2 : i32
    %mul3A_451 = vector.broadcast %mul3A_450 : i32 to vector<16xi32>
    %mul3A_452 = arith.muli %mul3A_451, %iota3A : vector<16xi32>
    %add3A_453 = arith.constant 640 : i32
    %add3A_454 = vector.broadcast %add3A_453 : i32 to vector<16xi32>
    %add3A_455 = arith.addi %add3A_454, %mul3A_452 : vector<16xi32>
    tpu.vector_store_idx %arg5[%add3A_455], %sub3A_449 : memref<1024xi32, #tpu.memory_space<vmem>>[vector<16xi32>], vector<16xi32>,
    %add3A_456 = arith.constant 1 : i32
    %add3A_457 = vector.broadcast %add3A_456 : i32 to vector<16xi32>
    %add3A_458 = arith.addi %add3A_455, %add3A_457 : vector<16xi32>
    tpu.vector_store_idx %arg5[%add3A_458], %select_n3A_446 : memref<1024xi32, #tpu.memory_space<vmem>>[vector<16xi32>], vector<16xi32>,
    %get3A_459 = arith.constant 336 : index
    %get3A_460 = tpu.vector_load %arg4[%get3A_459] {strides = array<i32>} : memref<512xf32, #tpu.memory_space<vmem>>, vector<16xf32>,
    %gt3A_461 = arith.constant 5.000000e-01 : f32
    %gt3A_462 = vector.broadcast %gt3A_461 : f32 to vector<16xf32>
    %gt3A_463 = arith.cmpf ogt, %get3A_460, %gt3A_462 : vector<16xf32>
    %jit3A_464 = arith.constant 1 : i32
    %jit3A_465 = arith.constant 0 : i32
    %broadcast_in_dim3A_466 = vector.broadcast %jit3A_464 : i32 to vector<16xi32>
    %broadcast_in_dim3A_467 = vector.broadcast %jit3A_465 : i32 to vector<16xi32>
    %select_n3A_468 = arith.select %gt3A_463, %broadcast_in_dim3A_466, %broadcast_in_dim3A_467 : vector<16xi1>, vector<16xi32>
    %sub3A_469 = arith.constant 1 : i32
    %sub3A_470 = vector.broadcast %sub3A_469 : i32 to vector<16xi32>
    %sub3A_471 = arith.subi %sub3A_470, %select_n3A_468 : vector<16xi32>
    %mul3A_472 = arith.constant 2 : i32
    %mul3A_473 = vector.broadcast %mul3A_472 : i32 to vector<16xi32>
    %mul3A_474 = arith.muli %mul3A_473, %iota3A : vector<16xi32>
    %add3A_475 = arith.constant 672 : i32
    %add3A_476 = vector.broadcast %add3A_475 : i32 to vector<16xi32>
    %add3A_477 = arith.addi %add3A_476, %mul3A_474 : vector<16xi32>
    tpu.vector_store_idx %arg5[%add3A_477], %sub3A_471 : memref<1024xi32, #tpu.memory_space<vmem>>[vector<16xi32>], vector<16xi32>,
    %add3A_478 = arith.constant 1 : i32
    %add3A_479 = vector.broadcast %add3A_478 : i32 to vector<16xi32>
    %add3A_480 = arith.addi %add3A_477, %add3A_479 : vector<16xi32>
    tpu.vector_store_idx %arg5[%add3A_480], %select_n3A_468 : memref<1024xi32, #tpu.memory_space<vmem>>[vector<16xi32>], vector<16xi32>,
    %get3A_481 = arith.constant 352 : index
    %get3A_482 = tpu.vector_load %arg4[%get3A_481] {strides = array<i32>} : memref<512xf32, #tpu.memory_space<vmem>>, vector<16xf32>,
    %gt3A_483 = arith.constant 5.000000e-01 : f32
    %gt3A_484 = vector.broadcast %gt3A_483 : f32 to vector<16xf32>
    %gt3A_485 = arith.cmpf ogt, %get3A_482, %gt3A_484 : vector<16xf32>
    %jit3A_486 = arith.constant 1 : i32
    %jit3A_487 = arith.constant 0 : i32
    %broadcast_in_dim3A_488 = vector.broadcast %jit3A_486 : i32 to vector<16xi32>
    %broadcast_in_dim3A_489 = vector.broadcast %jit3A_487 : i32 to vector<16xi32>
    %select_n3A_490 = arith.select %gt3A_485, %broadcast_in_dim3A_488, %broadcast_in_dim3A_489 : vector<16xi1>, vector<16xi32>
    %sub3A_491 = arith.constant 1 : i32
    %sub3A_492 = vector.broadcast %sub3A_491 : i32 to vector<16xi32>
    %sub3A_493 = arith.subi %sub3A_492, %select_n3A_490 : vector<16xi32>
    %mul3A_494 = arith.constant 2 : i32
    %mul3A_495 = vector.broadcast %mul3A_494 : i32 to vector<16xi32>
    %mul3A_496 = arith.muli %mul3A_495, %iota3A : vector<16xi32>
    %add3A_497 = arith.constant 704 : i32
    %add3A_498 = vector.broadcast %add3A_497 : i32 to vector<16xi32>
    %add3A_499 = arith.addi %add3A_498, %mul3A_496 : vector<16xi32>
    tpu.vector_store_idx %arg5[%add3A_499], %sub3A_493 : memref<1024xi32, #tpu.memory_space<vmem>>[vector<16xi32>], vector<16xi32>,
    %add3A_500 = arith.constant 1 : i32
    %add3A_501 = vector.broadcast %add3A_500 : i32 to vector<16xi32>
    %add3A_502 = arith.addi %add3A_499, %add3A_501 : vector<16xi32>
    tpu.vector_store_idx %arg5[%add3A_502], %select_n3A_490 : memref<1024xi32, #tpu.memory_space<vmem>>[vector<16xi32>], vector<16xi32>,
    %get3A_503 = arith.constant 368 : index
    %get3A_504 = tpu.vector_load %arg4[%get3A_503] {strides = array<i32>} : memref<512xf32, #tpu.memory_space<vmem>>, vector<16xf32>,
    %gt3A_505 = arith.constant 5.000000e-01 : f32
    %gt3A_506 = vector.broadcast %gt3A_505 : f32 to vector<16xf32>
    %gt3A_507 = arith.cmpf ogt, %get3A_504, %gt3A_506 : vector<16xf32>
    %jit3A_508 = arith.constant 1 : i32
    %jit3A_509 = arith.constant 0 : i32
    %broadcast_in_dim3A_510 = vector.broadcast %jit3A_508 : i32 to vector<16xi32>
    %broadcast_in_dim3A_511 = vector.broadcast %jit3A_509 : i32 to vector<16xi32>
    %select_n3A_512 = arith.select %gt3A_507, %broadcast_in_dim3A_510, %broadcast_in_dim3A_511 : vector<16xi1>, vector<16xi32>
    %sub3A_513 = arith.constant 1 : i32
    %sub3A_514 = vector.broadcast %sub3A_513 : i32 to vector<16xi32>
    %sub3A_515 = arith.subi %sub3A_514, %select_n3A_512 : vector<16xi32>
    %mul3A_516 = arith.constant 2 : i32
    %mul3A_517 = vector.broadcast %mul3A_516 : i32 to vector<16xi32>
    %mul3A_518 = arith.muli %mul3A_517, %iota3A : vector<16xi32>
    %add3A_519 = arith.constant 736 : i32
    %add3A_520 = vector.broadcast %add3A_519 : i32 to vector<16xi32>
    %add3A_521 = arith.addi %add3A_520, %mul3A_518 : vector<16xi32>
    tpu.vector_store_idx %arg5[%add3A_521], %sub3A_515 : memref<1024xi32, #tpu.memory_space<vmem>>[vector<16xi32>], vector<16xi32>,
    %add3A_522 = arith.constant 1 : i32
    %add3A_523 = vector.broadcast %add3A_522 : i32 to vector<16xi32>
    %add3A_524 = arith.addi %add3A_521, %add3A_523 : vector<16xi32>
    tpu.vector_store_idx %arg5[%add3A_524], %select_n3A_512 : memref<1024xi32, #tpu.memory_space<vmem>>[vector<16xi32>], vector<16xi32>,
    %get3A_525 = arith.constant 384 : index
    %get3A_526 = tpu.vector_load %arg4[%get3A_525] {strides = array<i32>} : memref<512xf32, #tpu.memory_space<vmem>>, vector<16xf32>,
    %gt3A_527 = arith.constant 5.000000e-01 : f32
    %gt3A_528 = vector.broadcast %gt3A_527 : f32 to vector<16xf32>
    %gt3A_529 = arith.cmpf ogt, %get3A_526, %gt3A_528 : vector<16xf32>
    %jit3A_530 = arith.constant 1 : i32
    %jit3A_531 = arith.constant 0 : i32
    %broadcast_in_dim3A_532 = vector.broadcast %jit3A_530 : i32 to vector<16xi32>
    %broadcast_in_dim3A_533 = vector.broadcast %jit3A_531 : i32 to vector<16xi32>
    %select_n3A_534 = arith.select %gt3A_529, %broadcast_in_dim3A_532, %broadcast_in_dim3A_533 : vector<16xi1>, vector<16xi32>
    %sub3A_535 = arith.constant 1 : i32
    %sub3A_536 = vector.broadcast %sub3A_535 : i32 to vector<16xi32>
    %sub3A_537 = arith.subi %sub3A_536, %select_n3A_534 : vector<16xi32>
    %mul3A_538 = arith.constant 2 : i32
    %mul3A_539 = vector.broadcast %mul3A_538 : i32 to vector<16xi32>
    %mul3A_540 = arith.muli %mul3A_539, %iota3A : vector<16xi32>
    %add3A_541 = arith.constant 768 : i32
    %add3A_542 = vector.broadcast %add3A_541 : i32 to vector<16xi32>
    %add3A_543 = arith.addi %add3A_542, %mul3A_540 : vector<16xi32>
    tpu.vector_store_idx %arg5[%add3A_543], %sub3A_537 : memref<1024xi32, #tpu.memory_space<vmem>>[vector<16xi32>], vector<16xi32>,
    %add3A_544 = arith.constant 1 : i32
    %add3A_545 = vector.broadcast %add3A_544 : i32 to vector<16xi32>
    %add3A_546 = arith.addi %add3A_543, %add3A_545 : vector<16xi32>
    tpu.vector_store_idx %arg5[%add3A_546], %select_n3A_534 : memref<1024xi32, #tpu.memory_space<vmem>>[vector<16xi32>], vector<16xi32>,
    %get3A_547 = arith.constant 400 : index
    %get3A_548 = tpu.vector_load %arg4[%get3A_547] {strides = array<i32>} : memref<512xf32, #tpu.memory_space<vmem>>, vector<16xf32>,
    %gt3A_549 = arith.constant 5.000000e-01 : f32
    %gt3A_550 = vector.broadcast %gt3A_549 : f32 to vector<16xf32>
    %gt3A_551 = arith.cmpf ogt, %get3A_548, %gt3A_550 : vector<16xf32>
    %jit3A_552 = arith.constant 1 : i32
    %jit3A_553 = arith.constant 0 : i32
    %broadcast_in_dim3A_554 = vector.broadcast %jit3A_552 : i32 to vector<16xi32>
    %broadcast_in_dim3A_555 = vector.broadcast %jit3A_553 : i32 to vector<16xi32>
    %select_n3A_556 = arith.select %gt3A_551, %broadcast_in_dim3A_554, %broadcast_in_dim3A_555 : vector<16xi1>, vector<16xi32>
    %sub3A_557 = arith.constant 1 : i32
    %sub3A_558 = vector.broadcast %sub3A_557 : i32 to vector<16xi32>
    %sub3A_559 = arith.subi %sub3A_558, %select_n3A_556 : vector<16xi32>
    %mul3A_560 = arith.constant 2 : i32
    %mul3A_561 = vector.broadcast %mul3A_560 : i32 to vector<16xi32>
    %mul3A_562 = arith.muli %mul3A_561, %iota3A : vector<16xi32>
    %add3A_563 = arith.constant 800 : i32
    %add3A_564 = vector.broadcast %add3A_563 : i32 to vector<16xi32>
    %add3A_565 = arith.addi %add3A_564, %mul3A_562 : vector<16xi32>
    tpu.vector_store_idx %arg5[%add3A_565], %sub3A_559 : memref<1024xi32, #tpu.memory_space<vmem>>[vector<16xi32>], vector<16xi32>,
    %add3A_566 = arith.constant 1 : i32
    %add3A_567 = vector.broadcast %add3A_566 : i32 to vector<16xi32>
    %add3A_568 = arith.addi %add3A_565, %add3A_567 : vector<16xi32>
    tpu.vector_store_idx %arg5[%add3A_568], %select_n3A_556 : memref<1024xi32, #tpu.memory_space<vmem>>[vector<16xi32>], vector<16xi32>,
    %get3A_569 = arith.constant 416 : index
    %get3A_570 = tpu.vector_load %arg4[%get3A_569] {strides = array<i32>} : memref<512xf32, #tpu.memory_space<vmem>>, vector<16xf32>,
    %gt3A_571 = arith.constant 5.000000e-01 : f32
    %gt3A_572 = vector.broadcast %gt3A_571 : f32 to vector<16xf32>
    %gt3A_573 = arith.cmpf ogt, %get3A_570, %gt3A_572 : vector<16xf32>
    %jit3A_574 = arith.constant 1 : i32
    %jit3A_575 = arith.constant 0 : i32
    %broadcast_in_dim3A_576 = vector.broadcast %jit3A_574 : i32 to vector<16xi32>
    %broadcast_in_dim3A_577 = vector.broadcast %jit3A_575 : i32 to vector<16xi32>
    %select_n3A_578 = arith.select %gt3A_573, %broadcast_in_dim3A_576, %broadcast_in_dim3A_577 : vector<16xi1>, vector<16xi32>
    %sub3A_579 = arith.constant 1 : i32
    %sub3A_580 = vector.broadcast %sub3A_579 : i32 to vector<16xi32>
    %sub3A_581 = arith.subi %sub3A_580, %select_n3A_578 : vector<16xi32>
    %mul3A_582 = arith.constant 2 : i32
    %mul3A_583 = vector.broadcast %mul3A_582 : i32 to vector<16xi32>
    %mul3A_584 = arith.muli %mul3A_583, %iota3A : vector<16xi32>
    %add3A_585 = arith.constant 832 : i32
    %add3A_586 = vector.broadcast %add3A_585 : i32 to vector<16xi32>
    %add3A_587 = arith.addi %add3A_586, %mul3A_584 : vector<16xi32>
    tpu.vector_store_idx %arg5[%add3A_587], %sub3A_581 : memref<1024xi32, #tpu.memory_space<vmem>>[vector<16xi32>], vector<16xi32>,
    %add3A_588 = arith.constant 1 : i32
    %add3A_589 = vector.broadcast %add3A_588 : i32 to vector<16xi32>
    %add3A_590 = arith.addi %add3A_587, %add3A_589 : vector<16xi32>
    tpu.vector_store_idx %arg5[%add3A_590], %select_n3A_578 : memref<1024xi32, #tpu.memory_space<vmem>>[vector<16xi32>], vector<16xi32>,
    %get3A_591 = arith.constant 432 : index
    %get3A_592 = tpu.vector_load %arg4[%get3A_591] {strides = array<i32>} : memref<512xf32, #tpu.memory_space<vmem>>, vector<16xf32>,
    %gt3A_593 = arith.constant 5.000000e-01 : f32
    %gt3A_594 = vector.broadcast %gt3A_593 : f32 to vector<16xf32>
    %gt3A_595 = arith.cmpf ogt, %get3A_592, %gt3A_594 : vector<16xf32>
    %jit3A_596 = arith.constant 1 : i32
    %jit3A_597 = arith.constant 0 : i32
    %broadcast_in_dim3A_598 = vector.broadcast %jit3A_596 : i32 to vector<16xi32>
    %broadcast_in_dim3A_599 = vector.broadcast %jit3A_597 : i32 to vector<16xi32>
    %select_n3A_600 = arith.select %gt3A_595, %broadcast_in_dim3A_598, %broadcast_in_dim3A_599 : vector<16xi1>, vector<16xi32>
    %sub3A_601 = arith.constant 1 : i32
    %sub3A_602 = vector.broadcast %sub3A_601 : i32 to vector<16xi32>
    %sub3A_603 = arith.subi %sub3A_602, %select_n3A_600 : vector<16xi32>
    %mul3A_604 = arith.constant 2 : i32
    %mul3A_605 = vector.broadcast %mul3A_604 : i32 to vector<16xi32>
    %mul3A_606 = arith.muli %mul3A_605, %iota3A : vector<16xi32>
    %add3A_607 = arith.constant 864 : i32
    %add3A_608 = vector.broadcast %add3A_607 : i32 to vector<16xi32>
    %add3A_609 = arith.addi %add3A_608, %mul3A_606 : vector<16xi32>
    tpu.vector_store_idx %arg5[%add3A_609], %sub3A_603 : memref<1024xi32, #tpu.memory_space<vmem>>[vector<16xi32>], vector<16xi32>,
    %add3A_610 = arith.constant 1 : i32
    %add3A_611 = vector.broadcast %add3A_610 : i32 to vector<16xi32>
    %add3A_612 = arith.addi %add3A_609, %add3A_611 : vector<16xi32>
    tpu.vector_store_idx %arg5[%add3A_612], %select_n3A_600 : memref<1024xi32, #tpu.memory_space<vmem>>[vector<16xi32>], vector<16xi32>,
    %get3A_613 = arith.constant 448 : index
    %get3A_614 = tpu.vector_load %arg4[%get3A_613] {strides = array<i32>} : memref<512xf32, #tpu.memory_space<vmem>>, vector<16xf32>,
    %gt3A_615 = arith.constant 5.000000e-01 : f32
    %gt3A_616 = vector.broadcast %gt3A_615 : f32 to vector<16xf32>
    %gt3A_617 = arith.cmpf ogt, %get3A_614, %gt3A_616 : vector<16xf32>
    %jit3A_618 = arith.constant 1 : i32
    %jit3A_619 = arith.constant 0 : i32
    %broadcast_in_dim3A_620 = vector.broadcast %jit3A_618 : i32 to vector<16xi32>
    %broadcast_in_dim3A_621 = vector.broadcast %jit3A_619 : i32 to vector<16xi32>
    %select_n3A_622 = arith.select %gt3A_617, %broadcast_in_dim3A_620, %broadcast_in_dim3A_621 : vector<16xi1>, vector<16xi32>
    %sub3A_623 = arith.constant 1 : i32
    %sub3A_624 = vector.broadcast %sub3A_623 : i32 to vector<16xi32>
    %sub3A_625 = arith.subi %sub3A_624, %select_n3A_622 : vector<16xi32>
    %mul3A_626 = arith.constant 2 : i32
    %mul3A_627 = vector.broadcast %mul3A_626 : i32 to vector<16xi32>
    %mul3A_628 = arith.muli %mul3A_627, %iota3A : vector<16xi32>
    %add3A_629 = arith.constant 896 : i32
    %add3A_630 = vector.broadcast %add3A_629 : i32 to vector<16xi32>
    %add3A_631 = arith.addi %add3A_630, %mul3A_628 : vector<16xi32>
    tpu.vector_store_idx %arg5[%add3A_631], %sub3A_625 : memref<1024xi32, #tpu.memory_space<vmem>>[vector<16xi32>], vector<16xi32>,
    %add3A_632 = arith.constant 1 : i32
    %add3A_633 = vector.broadcast %add3A_632 : i32 to vector<16xi32>
    %add3A_634 = arith.addi %add3A_631, %add3A_633 : vector<16xi32>
    tpu.vector_store_idx %arg5[%add3A_634], %select_n3A_622 : memref<1024xi32, #tpu.memory_space<vmem>>[vector<16xi32>], vector<16xi32>,
    %get3A_635 = arith.constant 464 : index
    %get3A_636 = tpu.vector_load %arg4[%get3A_635] {strides = array<i32>} : memref<512xf32, #tpu.memory_space<vmem>>, vector<16xf32>,
    %gt3A_637 = arith.constant 5.000000e-01 : f32
    %gt3A_638 = vector.broadcast %gt3A_637 : f32 to vector<16xf32>
    %gt3A_639 = arith.cmpf ogt, %get3A_636, %gt3A_638 : vector<16xf32>
    %jit3A_640 = arith.constant 1 : i32
    %jit3A_641 = arith.constant 0 : i32
    %broadcast_in_dim3A_642 = vector.broadcast %jit3A_640 : i32 to vector<16xi32>
    %broadcast_in_dim3A_643 = vector.broadcast %jit3A_641 : i32 to vector<16xi32>
    %select_n3A_644 = arith.select %gt3A_639, %broadcast_in_dim3A_642, %broadcast_in_dim3A_643 : vector<16xi1>, vector<16xi32>
    %sub3A_645 = arith.constant 1 : i32
    %sub3A_646 = vector.broadcast %sub3A_645 : i32 to vector<16xi32>
    %sub3A_647 = arith.subi %sub3A_646, %select_n3A_644 : vector<16xi32>
    %mul3A_648 = arith.constant 2 : i32
    %mul3A_649 = vector.broadcast %mul3A_648 : i32 to vector<16xi32>
    %mul3A_650 = arith.muli %mul3A_649, %iota3A : vector<16xi32>
    %add3A_651 = arith.constant 928 : i32
    %add3A_652 = vector.broadcast %add3A_651 : i32 to vector<16xi32>
    %add3A_653 = arith.addi %add3A_652, %mul3A_650 : vector<16xi32>
    tpu.vector_store_idx %arg5[%add3A_653], %sub3A_647 : memref<1024xi32, #tpu.memory_space<vmem>>[vector<16xi32>], vector<16xi32>,
    %add3A_654 = arith.constant 1 : i32
    %add3A_655 = vector.broadcast %add3A_654 : i32 to vector<16xi32>
    %add3A_656 = arith.addi %add3A_653, %add3A_655 : vector<16xi32>
    tpu.vector_store_idx %arg5[%add3A_656], %select_n3A_644 : memref<1024xi32, #tpu.memory_space<vmem>>[vector<16xi32>], vector<16xi32>,
    %get3A_657 = arith.constant 480 : index
    %get3A_658 = tpu.vector_load %arg4[%get3A_657] {strides = array<i32>} : memref<512xf32, #tpu.memory_space<vmem>>, vector<16xf32>,
    %gt3A_659 = arith.constant 5.000000e-01 : f32
    %gt3A_660 = vector.broadcast %gt3A_659 : f32 to vector<16xf32>
    %gt3A_661 = arith.cmpf ogt, %get3A_658, %gt3A_660 : vector<16xf32>
    %jit3A_662 = arith.constant 1 : i32
    %jit3A_663 = arith.constant 0 : i32
    %broadcast_in_dim3A_664 = vector.broadcast %jit3A_662 : i32 to vector<16xi32>
    %broadcast_in_dim3A_665 = vector.broadcast %jit3A_663 : i32 to vector<16xi32>
    %select_n3A_666 = arith.select %gt3A_661, %broadcast_in_dim3A_664, %broadcast_in_dim3A_665 : vector<16xi1>, vector<16xi32>
    %sub3A_667 = arith.constant 1 : i32
    %sub3A_668 = vector.broadcast %sub3A_667 : i32 to vector<16xi32>
    %sub3A_669 = arith.subi %sub3A_668, %select_n3A_666 : vector<16xi32>
    %mul3A_670 = arith.constant 2 : i32
    %mul3A_671 = vector.broadcast %mul3A_670 : i32 to vector<16xi32>
    %mul3A_672 = arith.muli %mul3A_671, %iota3A : vector<16xi32>
    %add3A_673 = arith.constant 960 : i32
    %add3A_674 = vector.broadcast %add3A_673 : i32 to vector<16xi32>
    %add3A_675 = arith.addi %add3A_674, %mul3A_672 : vector<16xi32>
    tpu.vector_store_idx %arg5[%add3A_675], %sub3A_669 : memref<1024xi32, #tpu.memory_space<vmem>>[vector<16xi32>], vector<16xi32>,
    %add3A_676 = arith.constant 1 : i32
    %add3A_677 = vector.broadcast %add3A_676 : i32 to vector<16xi32>
    %add3A_678 = arith.addi %add3A_675, %add3A_677 : vector<16xi32>
    tpu.vector_store_idx %arg5[%add3A_678], %select_n3A_666 : memref<1024xi32, #tpu.memory_space<vmem>>[vector<16xi32>], vector<16xi32>,
    %get3A_679 = arith.constant 496 : index
    %get3A_680 = tpu.vector_load %arg4[%get3A_679] {strides = array<i32>} : memref<512xf32, #tpu.memory_space<vmem>>, vector<16xf32>,
    %gt3A_681 = arith.constant 5.000000e-01 : f32
    %gt3A_682 = vector.broadcast %gt3A_681 : f32 to vector<16xf32>
    %gt3A_683 = arith.cmpf ogt, %get3A_680, %gt3A_682 : vector<16xf32>
    %jit3A_684 = arith.constant 1 : i32
    %jit3A_685 = arith.constant 0 : i32
    %broadcast_in_dim3A_686 = vector.broadcast %jit3A_684 : i32 to vector<16xi32>
    %broadcast_in_dim3A_687 = vector.broadcast %jit3A_685 : i32 to vector<16xi32>
    %select_n3A_688 = arith.select %gt3A_683, %broadcast_in_dim3A_686, %broadcast_in_dim3A_687 : vector<16xi1>, vector<16xi32>
    %sub3A_689 = arith.constant 1 : i32
    %sub3A_690 = vector.broadcast %sub3A_689 : i32 to vector<16xi32>
    %sub3A_691 = arith.subi %sub3A_690, %select_n3A_688 : vector<16xi32>
    %mul3A_692 = arith.constant 2 : i32
    %mul3A_693 = vector.broadcast %mul3A_692 : i32 to vector<16xi32>
    %mul3A_694 = arith.muli %mul3A_693, %iota3A : vector<16xi32>
    %add3A_695 = arith.constant 992 : i32
    %add3A_696 = vector.broadcast %add3A_695 : i32 to vector<16xi32>
    %add3A_697 = arith.addi %add3A_696, %mul3A_694 : vector<16xi32>
    tpu.vector_store_idx %arg5[%add3A_697], %sub3A_691 : memref<1024xi32, #tpu.memory_space<vmem>>[vector<16xi32>], vector<16xi32>,
    %add3A_698 = arith.constant 1 : i32
    %add3A_699 = vector.broadcast %add3A_698 : i32 to vector<16xi32>
    %add3A_700 = arith.addi %add3A_697, %add3A_699 : vector<16xi32>
    tpu.vector_store_idx %arg5[%add3A_700], %select_n3A_688 : memref<1024xi32, #tpu.memory_space<vmem>>[vector<16xi32>], vector<16xi32>,
    %mul3A_701 = arith.constant 1024 : i32
    %mul3A_702 = arith.muli %add3A, %mul3A_701 : i32
    "tpu.region"() ({
      %run_scoped3A = tpu.sem_alloc : memref<!tpu.dma_semaphore, #tpu.memory_space<semaphore_mem>>
      %dma_start3A = tpu.memref_slice %arg3[%mul3A_702] : memref<32768xi32, #tpu.memory_space<hbm>> -> memref<1024xi32, #tpu.memory_space<hbm>>
      %dma_start3A_703 = tpu.memref_slice %arg3[%mul3A_702] : memref<32768xi32, #tpu.memory_space<hbm>> -> memref<1024xi32, #tpu.memory_space<hbm>>
      tpu.enqueue_dma source(%arg5 : memref<1024xi32, #tpu.memory_space<vmem>>) target(%dma_start3A_703 : memref<1024xi32, #tpu.memory_space<hbm>>) target_semaphore(%run_scoped3A : memref<!tpu.dma_semaphore, #tpu.memory_space<semaphore_mem>>)
      %dma_wait3A = tpu.memref_slice %arg3[%mul3A_702] : memref<32768xi32, #tpu.memory_space<hbm>> -> memref<1024xi32, #tpu.memory_space<hbm>>
      %dma_wait3A_704 = tpu.memref_slice %arg3[%mul3A_702] : memref<32768xi32, #tpu.memory_space<hbm>> -> memref<1024xi32, #tpu.memory_space<hbm>>
      tpu.wait_dma2 semaphore(%run_scoped3A : memref<!tpu.dma_semaphore, #tpu.memory_space<semaphore_mem>>) src(%arg5 : memref<1024xi32, #tpu.memory_space<vmem>>) dst(%dma_wait3A_704 : memref<1024xi32, #tpu.memory_space<hbm>>)
      tpu.yield
    }) : () -> ()
    return
  }
}

</mosaic_0001>

<sc_bundles>
// kernel: kernel.3.cloned.1.call-start
scs
__scs_entry_jumppad:
0x0: {  	(pc) =	sbr.rel $0x88, $3  }
0x1: {  	(tag) =	ssettag $0x0;
	lr =	simm.s32 $0x1  }
0x2: {  	[smem:$0x3FA0] =	sst lr;
	_ =	strace $0xD0000000  }
0x3: {  	_ = 	snop  }
0x4: {  	_ = 	snop  }
0x5: {  	_ = 	snop  }
0x6: {  	_ = 	snop  }
0x7: {  	_ = 	snop  }
__scs_overlays_trampoline_lowered:
0x8: {  	[smem:$0x3FAF] =	sst s0  }
0x9: {  	[smem:$0x3FB0] =	sst s1  }
0xa: {  	[smem:$0x3FB1] =	sst s2  }
0xb: {  	[smem:$0x3FB2] =	sst s3  }
0xc: {  	[smem:$0x3FB3] =	sst s4  }
0xd: {  	[smem:$0x3FB4] =	sst s5  }
0xe: {  	[smem:$0x3FB5] =	sst s6  }
0xf: {  	[smem:$0x3FB6] =	sst s7  }
0x10: {  	[smem:$0x3FB7] =	sst s8  }
0x11: {  	[smem:$0x3FB8] =	sst s9;
	s0 =	simm.s32 @!p0 $0x0  }
0x12: {  	s1 =	sld [smem:$0x3F9E];
	s0 =	simm.s32 @p0 $0x1  }
0x13: {  	[smem:$0x3FB9] =	sst s0;
	s0 =	simm.s32 @!p1 $0x0  }
0x14: {  	s2 =	sld [smem:$0x3F9D];
	s0 =	simm.s32 @p1 $0x1  }
0x15: {  	[smem:$0x3FBA] =	sst s0;
	s0 =	simm.s32 @!p2 $0x0  }
0x16: {  	s3 =	sld [smem:$0x3FDB];
	s0 =	simm.s32 @p2 $0x1  }
0x17: {  	s4 =	simm.s32 $0x1BF5;
	[smem:$0x3FBC] =	sst s0  }
0x18: {  	s0 =	sld [smem:$0x3F9F];
	_ =	swait.ge [sflag:s4], $0x0  }
0x19: {  	s7 =	sld [smem:$0x3FA0]  }
0x1a: {  	s8 =	sadd.s32 $0xFFFFE003, lr  }
0x1b: {  	s9 =	sadd.s32 $0xFFFFFEF7, lr;
	s5 =	simm.s32 $0xFFFFFFFF;
	p2 =	slt.u32 s8, $0xFFFFF086  }
0x1c: {  	p1 =	slt.u32 s9, $0xF7A;
	s5 =	simm.s32 @!p2 $0x0  }
0x1d: {  	s5 =	simm.s32 @p1 $0x1;
	p0 =	seq.s32 s7, s2  }
0x1e: {  	s7 =	smul.u32 @!p0 $0xF7A, s2;
	p2 =	seq.s32 @!p0 s5, $0x0  }
0x1f: {  	s9 =	smul.u32 $0xF7A, s1;
	s8 =	simm.s32 @!p0 $0x1BF5;
	p2 =	por !p2, p0  }
0x20: {  	[sflag:s8] =	ssyncset.s32 @!p0 $0xFFFFF086;
	s6 =	sadd.s32 @!p0 s3, s7;
	s7 =	simm.s32 @!p0 $0x108  }
0x21: {  	s3 =	sadd.s32 s3, s9;
	s6 =	sadd.s32 @!p0 $0x88, s6;
	s7 =	simm.s32 @p2 $0x1082  }
0x22: {  	[simem:s7], [sflag:s8] =	dma.local @!p0 [hbm:s6], $0xF7A  }
0x23: {  	s9 =	sor.u32 $0xD0000000, s2;
	s6 =	simm.s32 $0x108;
	_ =	swait.ge @!p0 [sflag:s8], $0x0  }
0x24: {  	s3 =	sadd.s32 $0x88, s3;
	s6 =	simm.s32 @!p1 $0x1082;
	[sflag:s4] =	ssyncset.s32 $0xFFFFF086  }
0x25: {  	[simem:s6], [sflag:s4] =	dma.local [hbm:s3], $0xF7A  }
0x26: {  	[smem:$0x3FA0] =	sst s1;
	(tag) =	ssettag s2;
	_ =	strace s9  }
0x27: {  	s1 =	sld [smem:$0x3FB0]  }
0x28: {  	s2 =	sld [smem:$0x3FB1]  }
0x29: {  	s4 =	sld [smem:$0x3FB3]  }
0x2a: {  	p0 =	seq.s32 s5, $0x0;
	s5 =	sld [smem:$0x3FB4]  }
0x2b: {  	s6 =	sld [smem:$0x3FB5]  }
0x2c: {  	s7 =	sld [smem:$0x3FB6]  }
0x2d: {  	s3 =	simm.s32 $0x108;
	s8 =	sld [smem:$0x3FB7]  }
0x2e: {  	s3 =	simm.s32 @!p0 $0x1082;
	s9 =	sld [smem:$0x3FB8]  }
0x2f: {  	lr =	sadd.s32 s0, s3;
	s0 =	sld [smem:$0x3FAF]  }
0x30: {  	s3 =	sld [smem:$0x3FB2]  }
0x31: {  	[smem:$0x3FBB] =	sst s10  }
0x32: {  	s10 =	sld [smem:$0x3FB9];
	_ =	sdelay $0x3  }
0x33: {  	p0 =	seq.s32 s10, $0x1;
	s10 =	sld [smem:$0x3FBB];
	_ =	sdelay $0x3  }
0x34: {  	[smem:$0x3FBB] =	sst s10  }
0x35: {  	s10 =	sld [smem:$0x3FBA];
	_ =	sdelay $0x3  }
0x36: {  	p1 =	seq.s32 s10, $0x1;
	s10 =	sld [smem:$0x3FBB];
	_ =	sdelay $0x3  }
0x37: {  	[smem:$0x3FBB] =	sst s10  }
0x38: {  	s10 =	sld [smem:$0x3FBC]  }
0x39: {  	_ = 	snop;
	(pc) =	sbr.ind lr, $3  }
0x3a: {  	_ = 	snop  }
0x3b: {  	_ = 	snop  }
0x3c: {  	p2 =	seq.s32 s10, $0x1;
	s10 =	sld [smem:$0x3FBB]  }
0x3d: {  	_ =	shalt  }
0x3e: {  	_ =	shalt  }
0x3f: {  	_ =	shalt  }
0x40: {  	_ =	shalt  }
0x41: {  	_ =	shalt  }
0x42: {  	_ =	shalt  }
0x43: {  	_ =	shalt  }
0x44: {  	_ =	shalt  }
0x45: {  	_ =	shalt  }
0x46: {  	_ =	shalt  }
0x47: {  	_ =	shalt  }
0x48: {  	_ =	shalt  }
0x49: {  	_ =	shalt  }
0x4a: {  	_ =	shalt  }
0x4b: {  	_ =	shalt  }
0x4c: {  	_ =	shalt  }
0x4d: {  	_ =	shalt  }
0x4e: {  	_ =	shalt  }
0x4f: {  	_ =	shalt  }
0x50: {  	_ =	shalt  }
0x51: {  	_ =	shalt  }
0x52: {  	_ =	shalt  }
0x53: {  	_ =	shalt  }
0x54: {  	_ =	shalt  }
0x55: {  	_ =	shalt  }
0x56: {  	_ =	shalt  }
0x57: {  	_ =	shalt  }
0x58: {  	_ =	shalt  }
0x59: {  	_ =	shalt  }
0x5a: {  	_ =	shalt  }
0x5b: {  	_ =	shalt  }
0x5c: {  	_ =	shalt  }
0x5d: {  	_ =	shalt  }
0x5e: {  	_ =	shalt  }
0x5f: {  	_ =	shalt  }
0x60: {  	_ =	shalt  }
0x61: {  	_ =	shalt  }
0x62: {  	_ =	shalt  }
0x63: {  	_ =	shalt  }
0x64: {  	_ =	shalt  }
0x65: {  	_ =	shalt  }
0x66: {  	_ =	shalt  }
0x67: {  	_ =	shalt  }
0x68: {  	_ =	shalt  }
0x69: {  	_ =	shalt  }
0x6a: {  	_ =	shalt  }
0x6b: {  	_ =	shalt  }
0x6c: {  	_ =	shalt  }
0x6d: {  	_ =	shalt  }
0x6e: {  	_ =	shalt  }
0x6f: {  	_ =	shalt  }
0x70: {  	_ =	shalt  }
0x71: {  	_ =	shalt  }
0x72: {  	_ =	shalt  }
0x73: {  	_ =	shalt  }
0x74: {  	_ =	shalt  }
0x75: {  	_ =	shalt  }
0x76: {  	_ =	shalt  }
0x77: {  	_ =	shalt  }
0x78: {  	_ =	shalt  }
0x79: {  	_ =	shalt  }
0x7a: {  	_ =	shalt  }
0x7b: {  	_ =	shalt  }
0x7c: {  	_ =	shalt  }
0x7d: {  	_ =	shalt  }
0x7e: {  	_ =	shalt  }
0x7f: {  	_ =	shalt  }
0x80: {  	_ =	shalt  }
0x81: {  	_ =	shalt  }
0x82: {  	_ =	shalt  }
0x83: {  	_ =	shalt  }
0x84: {  	_ =	shalt  }
0x85: {  	_ =	shalt  }
0x86: {  	_ =	shalt  }
0x87: {  	_ =	shalt  }
.Lfunc_end0:
.L_simem_size_0:
called_computation_lowered:
.L_overlay_start_0:
0x88: {  	s2 =	sld [smem:$0x3FD9]  }
0x89: {  	s3 =	sld [smem:$0x3FFE];
	_ =	sdelay $0x1  }
0x8a: {  	s1 =	srdreg.scid  }
0x8b: {  	s0 =	sand.u32 $0x1, s1  }
0x8c: {  	s17 =	sshll.u32 s0, $0xA;
	s2 =	sadd.s32 s3, s2  }
0x8d: {  	s2 =	sadd.s32 s2, s17  }
0x8e: {  	[smem:$0x3FC7] =	sst s2  }
0x8f: {  	_ = 	snop  }
0x90: {  	s2 =	sld [smem:$0x3FD0];
	(tm) =	ssettm $0x1  }
0x91: {  	s18 =	sld [smem:$0x3FFB];
	_ =	sdelay $0x3  }
0x92: {  	_ =	strace s18  }
0x93: {  	s3 =	sld [smem:$0x3FFC];
	_ =	sdelay $0x3  }
0x94: {  	_ =	strace s3  }
0x95: {  	s3 =	sld [smem:$0x3FFD];
	_ =	sdelay $0x3  }
0x96: {  	_ =	strace s3  }
0x97: {  	_ =	strace $0x8FFFFFFF  }
0x98: {  	s19 =	sld [smem:$0x3FDB];
	_ =	sdelay $0x1  }
0x99: {  	s4 =	simm.s32 $_scs_section_size  }
0x9a: {  	s5 =	simm.s32 $_size__tile_overlayer_lowered;
	s6 =	simm.s32 $_tile_overlayer_lowered  }
0x9b: {  	s22 =	simm.s32 $0x1BFF;
	s21 =	sshll.u32 s6, $0x1;
	s3 =	sadd.s32 s4, s19  }
0x9c: {  	s7 =	simm.s32 $0x0;
	s20 =	sshll.u32 s5, $0x1;
	s5 =	sadd.s32 s21, s3  }
0x9d: {  	[timem:s7], [sflag:s22] =	dma.local [hbm:s5], s20  }
0x9e: {  	_ =	swait.ge [sflag:s22], s20  }
0x9f: {  	s4 =	ssub.s32 $0x0, s20;
	[sflag:s22] =	ssyncset.done $0x0  }
0xa0: {  	[sflag:s22] =	ssyncadd.s32 s4;
	_ =	sdelay $0x1  }
0xa1: {  	s23 =	simm.s32 $0x1B8B  }
0xa2: {  	_ =	swait.ge [sflag:s23], $0x1  }
0xa3: {  	[sflag:s23] =	ssyncset.done $0x0  }
0xa4: {  	s25 =	simm.s32 $0x1B8E;
	s24 =	sld [smem:$0x3FFE];
	[sflag:s23] =	ssyncadd.s32 $0xFFFFFFFF  }
0xa5: {  	s26 =	simm.s32 $execute0_lowered;
	[smem:$0x3FD2] =	sst s25  }
0xa6: {  	s5 =	sshll.u32 s26, $0x1;
	_ =	strace $0x80000046;
	[dreg:$0x1] =	wrdreg $0xFFFFFFFF  }
0xa7: {  	s28 =	simm.s32 $_size_execute0_lowered;
	s3 =	sadd.s32 s3, s5;
	[dreg:$0x0] =	wrdreg $0x0  }
0xa8: {  	s5 =	sshll.u32 s28, $0x1;
	[dreg:$0x2] =	wrdreg s3  }
0xa9: {  	[dreg:$0x3] =	wrdreg s5  }
0xaa: {  	[dreg:$0x4] =	wrdreg $0xC0  }
0xab: {  	_ =	task [dreg:s7], $0x5FFFF  }
0xac: {  	[dreg:$0x1] =	wrdreg $0xFFFFFFFF  }
0xad: {  	[dreg:$0x0] =	wrdreg $0x60  }
0xae: {  	[dreg:$0x2] =	wrdreg s24  }
0xaf: {  	[dreg:$0x3] =	wrdreg s2  }
0xb0: {  	[dreg:$0x4] =	wrdreg $0x9  }
0xb1: {  	_ =	task.clear_ibuf [dreg:s7], $0x5FFFF;
	_ =	strace $0x90000046  }
0xb2: {  	s29 =	simm.s32 $0x9;
	_ =	strace $0x80000048  }
0xb3: {  	_ =	swait.ge [sflag:s29], $0x1  }
0xb4: {  	[sflag:s29] =	ssyncadd.s32 $0xFFFFFFFF  }
0xb5: {  	_ =	strace $0x90000048  }
0xb6: {  	_ =	sfence  }
0xb7: {  	s30 =	sld [smem:$0x0];
	_ =	sdelay $0x2  }
0xb8: {  	s31 =	sshll.u32 s1, $0xD;
	s1 =	sshrl.u32 s1, $0x2  }
0xb9: {  	s3 =	sand.u32 $0x4000, s31;
	s1 =	sadd.s32 s1, s30  }
0xba: {  	s0 =	sor.u32 s3, s0;
	s1 =	sshll.u32 s1, $0x11  }
0xbb: {  	s0 =	sor.u32 s1, s0  }
0xbc: {  	s0 =	sadd.s32 $0x8F2B, s0  }
0xbd: {  	[sflag:s0] =	ssyncadd.remote.s32 $0x1  }
0xbe: {  	_ =	sfence.sel $0xFFFF  }
0xbf: {  	[dreg:$0x0] =	wrdreg $0xFFFFFFFF;
	(pc) =	sbr.abs _section_cstart, $3  }
0xc0: {  	[dreg:$0x1] =	wrdreg $0xFFFFFFFF  }
0xc1: {  	_ =	task.clear_ibuf [dreg:s7], $0x2FFFF;
	_ =	strace $0x9FFFFFFF  }
0xc2: {  	(tm) =	ssettm $0x7FFFFFFF  }
0xc3: {  	_ =	shalt  }
tec
execute0_lowered:
.L_overlay_start_1:
0x0: {  	(tag) =	ssettag $0x1  }
0x1: {  	v0 =	vlaneseq.u32  }
0x2: {  	v0 =	vmul.u32 $0x2, v0;
	_ =	sdelay $0x1  }
0x3: {  	v1 =	vimm.s32 $0x0;
	v2 =	vor.u32 $0x1, v0;
	v5 =	vor.u32 $0x40, v0  }
0x4: {  	v6 =	vor.u32 $0x41, v0;
	v7 =	vor.u32 $0x60, v0;
	v8 =	vor.u32 $0x61, v0  }
0x5: {  	v9 =	vor.u32 $0x80, v0;
	v10 =	vor.u32 $0x81, v0;
	v11 =	vor.u32 $0xA0, v0  }
0x6: {  	v12 =	vor.u32 $0xA1, v0;
	v13 =	vor.u32 $0xC0, v0;
	v14 =	vor.u32 $0xC1, v0  }
0x7: {  	v15 =	vor.u32 $0xE0, v0;
	v16 =	vor.u32 $0xE1, v0;
	v17 =	vor.u32 $0x100, v0  }
0x8: {  	v18 =	vor.u32 $0x101, v0;
	v19 =	vor.u32 $0x120, v0;
	v20 =	vor.u32 $0x121, v0  }
0x9: {  	v21 =	vor.u32 $0x140, v0;
	v22 =	vor.u32 $0x141, v0;
	v23 =	vor.u32 $0x160, v0  }
0xa: {  	v24 =	vor.u32 $0x161, v0;
	v25 =	vor.u32 $0x180, v0;
	v26 =	vor.u32 $0x181, v0  }
0xb: {  	v27 =	vor.u32 $0x1A0, v0;
	v28 =	vor.u32 $0x1A1, v0;
	v29 =	vor.u32 $0x1C0, v0  }
0xc: {  	v30 =	vor.u32 $0x1C1, v0;
	v31 =	vor.u32 $0x1E0, v0;
	v32 =	vor.u32 $0x1E1, v0  }
0xd: {  	v33 =	vor.u32 $0x200, v0;
	v34 =	vor.u32 $0x201, v0;
	v35 =	vor.u32 $0x220, v0  }
0xe: {  	v36 =	vor.u32 $0x221, v0;
	v37 =	vor.u32 $0x240, v0;
	v38 =	vor.u32 $0x241, v0  }
0xf: {  	s3 =	rddreg [dreg:$0x0];
	v39 =	vor.u32 $0x260, v0;
	v40 =	vor.u32 $0x261, v0;
	v41 =	vor.u32 $0x280, v0  }
0x10: {  	s4 =	rddreg [dreg:$0x1];
	v42 =	vor.u32 $0x281, v0;
	v43 =	vor.u32 $0x2A0, v0;
	v44 =	vor.u32 $0x2A1, v0  }
0x11: {  	s5 =	srdreg.scid;
	s1 =	stileid.u32;
	v45 =	vor.u32 $0x2C0, v0;
	v46 =	vor.u32 $0x2C1, v0;
	v47 =	vor.u32 $0x2E0, v0  }
0x12: {  	s0 =	rddreg [dreg:$0x2];
	s5 =	sand.u32 $0x1, s5;
	s6 =	sshll.u32 s1, $0x1;
	v48 =	vor.u32 $0x2E1, v0;
	v49 =	vor.u32 $0x300, v0;
	v50 =	vor.u32 $0x301, v0  }
0x13: {  	s2 =	simm.s32 $0x0;
	s6 =	sor.u32 s5, s6;
	s5 =	ssub.s32 $0x2, s5;
	v51 =	vor.u32 $0x320, v0;
	v52 =	vor.u32 $0x321, v0;
	v53 =	vor.u32 $0x340, v0  }
0x14: {  	[smem:$0x7FF] =	sst s2;
	s7 =	sshll.u32 s6, $0x6;
	v54 =	vor.u32 $0x341, v0;
	s31 =	sshrl.u32 s5, $0x1;
	v55 =	vor.u32 $0x360, v0;
	[tilespmem:$0x1FFD0] =	vst v2;
	v2 =	vor.u32 $0x20, v0  }
0x15: {  	s6 =	sshll.u32 s6, $0x7;
	v56 =	vor.u32 $0x361, v0;
	v57 =	vor.u32 $0x380, v0;
	s3 =	sadd.s32 s7, s3;
	s5 =	ssub.s32 s5, s31;
	[tilespmem:$0x1FFE0] =	vst v2;
	v2 =	vor.u32 $0x21, v0  }
0x16: {  	v58 =	vor.u32 $0x381, v0;
	v59 =	vor.u32 $0x3A0, v0;
	v60 =	vor.u32 $0x3A1, v0;
	s4 =	sadd.s32 s4, s6;
	s6 =	simm.s32 $0x1;
	s7 =	simm.s32 $0x200;
	[tilespmem:$0x1FFF0] =	vst v2  }
0x17: {  	v61 =	vor.u32 $0x3C0, v0;
	v62 =	vor.u32 $0x3C1, v0;
	v63 =	vor.u32 $0x3E0, v0;
	s3 =	sadd.s32 $0x400, s3;
	s5 =	smax.u32 s5, $0x1;
	_ =	strace $0x80000047  }
.LBB2_1:
0x18: {  	[tilespmem:s2], [sflag:$0x1] =	stream.linear.gather [hbm4b:s3+s2], $0x200, $0x38;
	[tilespmem:$0x600] =	vst v63  }
0x19: {  	_ =	swait.ge [sflag:s6], $0x200  }
0x1a: {  	[sflag:s6] =	ssyncset.done $0x0  }
0x1b: {  	[sflag:s6] =	ssyncadd.s32 $0xFFFFFE00  }
0x1c: {  	v2 =	vld [tilespmem:$0x0];
	_ =	sdelay $0x4  }
0x1d: {  	vm0 =	vgt.f32 v2, $5.000000000e-01  }
0x1e: {  	vm1 =	vmneg vm0  }
0x1f: {  	v2 =	vsel vm1, $0x1, v1  }
0x20: {  	[tilespmem:v0+s7+$0x0] =	vst.idx.msk $0xffff, v2;
	v2 =	vld [tilespmem:$0x1FFD0];
	_ =	sdelay $0x6  }
0x21: {  	v3 =	vsel vm0, $0x1, v1  }
0x22: {  	v4 =	vld [tilespmem:$0x1FFE0];
	[tilespmem:v2+s7+$0x0] =	vst.idx.msk $0xffff, v3  }
0x23: {  	v2 =	vld [tilespmem:$0x10];
	_ =	sdelay $0x4  }
0x24: {  	vm14 =	vgt.f32 v2, $5.000000000e-01  }
0x25: {  	vm15 =	vmneg vm14  }
0x26: {  	v2 =	vsel vm15, $0x1, v1  }
0x27: {  	[tilespmem:v4+s7+$0x0] =	vst.idx.msk $0xffff, v2;
	v2 =	vld [tilespmem:$0x1FFF0];
	_ =	sdelay $0x6  }
0x28: {  	v3 =	vsel vm14, $0x1, v1  }
0x29: {  	[tilespmem:v2+s7+$0x0] =	vst.idx.msk $0xffff, v3  }
0x2a: {  	v2 =	vld [tilespmem:$0x20];
	_ =	sdelay $0x4  }
0x2b: {  	vm4 =	vgt.f32 v2, $5.000000000e-01  }
0x2c: {  	vm5 =	vmneg vm4  }
0x2d: {  	v2 =	vsel vm5, $0x1, v1  }
0x2e: {  	v3 =	vsel vm4, $0x1, v1;
	[tilespmem:v5+s7+$0x0] =	vst.idx.msk $0xffff, v2  }
0x2f: {  	[tilespmem:v6+s7+$0x0] =	vst.idx.msk $0xffff, v3  }
0x30: {  	v2 =	vld [tilespmem:$0x30];
	_ =	sdelay $0x4  }
0x31: {  	vm6 =	vgt.f32 v2, $5.000000000e-01  }
0x32: {  	vm7 =	vmneg vm6  }
0x33: {  	v2 =	vsel vm7, $0x1, v1  }
0x34: {  	v3 =	vsel vm6, $0x1, v1;
	[tilespmem:v7+s7+$0x0] =	vst.idx.msk $0xffff, v2  }
0x35: {  	[tilespmem:v8+s7+$0x0] =	vst.idx.msk $0xffff, v3  }
0x36: {  	v2 =	vld [tilespmem:$0x40];
	_ =	sdelay $0x4  }
0x37: {  	vm8 =	vgt.f32 v2, $5.000000000e-01  }
0x38: {  	vm9 =	vmneg vm8  }
0x39: {  	v2 =	vsel vm9, $0x1, v1  }
0x3a: {  	v3 =	vsel vm8, $0x1, v1;
	[tilespmem:v9+s7+$0x0] =	vst.idx.msk $0xffff, v2  }
0x3b: {  	[tilespmem:v10+s7+$0x0] =	vst.idx.msk $0xffff, v3  }
0x3c: {  	v2 =	vld [tilespmem:$0x50];
	_ =	sdelay $0x4  }
0x3d: {  	vm10 =	vgt.f32 v2, $5.000000000e-01  }
0x3e: {  	vm11 =	vmneg vm10  }
0x3f: {  	v2 =	vsel vm11, $0x1, v1  }
0x40: {  	v3 =	vsel vm10, $0x1, v1;
	[tilespmem:v11+s7+$0x0] =	vst.idx.msk $0xffff, v2  }
0x41: {  	[tilespmem:v12+s7+$0x0] =	vst.idx.msk $0xffff, v3  }
0x42: {  	v2 =	vld [tilespmem:$0x60];
	_ =	sdelay $0x4  }
0x43: {  	vm12 =	vgt.f32 v2, $5.000000000e-01  }
0x44: {  	vm13 =	vmneg vm12  }
0x45: {  	v2 =	vsel vm13, $0x1, v1  }
0x46: {  	v3 =	vsel vm12, $0x1, v1;
	[tilespmem:v13+s7+$0x0] =	vst.idx.msk $0xffff, v2  }
0x47: {  	[tilespmem:v14+s7+$0x0] =	vst.idx.msk $0xffff, v3  }
0x48: {  	v2 =	vld [tilespmem:$0x70];
	_ =	sdelay $0x4  }
0x49: {  	vm14 =	vgt.f32 v2, $5.000000000e-01  }
0x4a: {  	vm15 =	vmneg vm14  }
0x4b: {  	v2 =	vsel vm15, $0x1, v1  }
0x4c: {  	v3 =	vsel vm14, $0x1, v1;
	[tilespmem:v15+s7+$0x0] =	vst.idx.msk $0xffff, v2  }
0x4d: {  	[tilespmem:v16+s7+$0x0] =	vst.idx.msk $0xffff, v3  }
0x4e: {  	v2 =	vld [tilespmem:$0x80];
	_ =	sdelay $0x4  }
0x4f: {  	vm4 =	vgt.f32 v2, $5.000000000e-01  }
0x50: {  	vm5 =	vmneg vm4  }
0x51: {  	v2 =	vsel vm5, $0x1, v1  }
0x52: {  	v3 =	vsel vm4, $0x1, v1;
	[tilespmem:v17+s7+$0x0] =	vst.idx.msk $0xffff, v2  }
0x53: {  	[tilespmem:v18+s7+$0x0] =	vst.idx.msk $0xffff, v3  }
0x54: {  	v2 =	vld [tilespmem:$0x90];
	_ =	sdelay $0x4  }
0x55: {  	vm6 =	vgt.f32 v2, $5.000000000e-01  }
0x56: {  	vm7 =	vmneg vm6  }
0x57: {  	v2 =	vsel vm7, $0x1, v1  }
0x58: {  	v3 =	vsel vm6, $0x1, v1;
	[tilespmem:v19+s7+$0x0] =	vst.idx.msk $0xffff, v2  }
0x59: {  	[tilespmem:v20+s7+$0x0] =	vst.idx.msk $0xffff, v3  }
0x5a: {  	v2 =	vld [tilespmem:$0xA0];
	_ =	sdelay $0x4  }
0x5b: {  	vm8 =	vgt.f32 v2, $5.000000000e-01  }
0x5c: {  	vm9 =	vmneg vm8  }
0x5d: {  	v2 =	vsel vm9, $0x1, v1  }
0x5e: {  	v3 =	vsel vm8, $0x1, v1;
	[tilespmem:v21+s7+$0x0] =	vst.idx.msk $0xffff, v2  }
0x5f: {  	[tilespmem:v22+s7+$0x0] =	vst.idx.msk $0xffff, v3  }
0x60: {  	v2 =	vld [tilespmem:$0xB0];
	_ =	sdelay $0x4  }
0x61: {  	vm10 =	vgt.f32 v2, $5.000000000e-01  }
0x62: {  	vm11 =	vmneg vm10  }
0x63: {  	v2 =	vsel vm11, $0x1, v1  }
0x64: {  	v3 =	vsel vm10, $0x1, v1;
	[tilespmem:v23+s7+$0x0] =	vst.idx.msk $0xffff, v2  }
0x65: {  	[tilespmem:v24+s7+$0x0] =	vst.idx.msk $0xffff, v3  }
0x66: {  	v2 =	vld [tilespmem:$0xC0];
	_ =	sdelay $0x4  }
0x67: {  	vm12 =	vgt.f32 v2, $5.000000000e-01  }
0x68: {  	vm13 =	vmneg vm12  }
0x69: {  	v2 =	vsel vm13, $0x1, v1  }
0x6a: {  	v3 =	vsel vm12, $0x1, v1;
	[tilespmem:v25+s7+$0x0] =	vst.idx.msk $0xffff, v2  }
0x6b: {  	[tilespmem:v26+s7+$0x0] =	vst.idx.msk $0xffff, v3  }
0x6c: {  	v2 =	vld [tilespmem:$0xD0];
	_ =	sdelay $0x4  }
0x6d: {  	vm14 =	vgt.f32 v2, $5.000000000e-01  }
0x6e: {  	vm15 =	vmneg vm14  }
0x6f: {  	v2 =	vsel vm15, $0x1, v1  }
0x70: {  	v3 =	vsel vm14, $0x1, v1;
	[tilespmem:v27+s7+$0x0] =	vst.idx.msk $0xffff, v2  }
0x71: {  	[tilespmem:v28+s7+$0x0] =	vst.idx.msk $0xffff, v3  }
0x72: {  	v2 =	vld [tilespmem:$0xE0];
	_ =	sdelay $0x4  }
0x73: {  	vm4 =	vgt.f32 v2, $5.000000000e-01  }
0x74: {  	vm5 =	vmneg vm4  }
0x75: {  	v2 =	vsel vm5, $0x1, v1  }
0x76: {  	v3 =	vsel vm4, $0x1, v1;
	[tilespmem:v29+s7+$0x0] =	vst.idx.msk $0xffff, v2  }
0x77: {  	[tilespmem:v30+s7+$0x0] =	vst.idx.msk $0xffff, v3  }
0x78: {  	v2 =	vld [tilespmem:$0xF0];
	_ =	sdelay $0x4  }
0x79: {  	vm6 =	vgt.f32 v2, $5.000000000e-01  }
0x7a: {  	vm7 =	vmneg vm6  }
0x7b: {  	v2 =	vsel vm7, $0x1, v1  }
0x7c: {  	v3 =	vsel vm6, $0x1, v1;
	[tilespmem:v31+s7+$0x0] =	vst.idx.msk $0xffff, v2  }
0x7d: {  	[tilespmem:v32+s7+$0x0] =	vst.idx.msk $0xffff, v3  }
0x7e: {  	v2 =	vld [tilespmem:$0x100];
	_ =	sdelay $0x4  }
0x7f: {  	vm8 =	vgt.f32 v2, $5.000000000e-01  }
0x80: {  	vm9 =	vmneg vm8  }
0x81: {  	v2 =	vsel vm9, $0x1, v1  }
0x82: {  	v3 =	vsel vm8, $0x1, v1;
	[tilespmem:v33+s7+$0x0] =	vst.idx.msk $0xffff, v2  }
0x83: {  	[tilespmem:v34+s7+$0x0] =	vst.idx.msk $0xffff, v3  }
0x84: {  	v2 =	vld [tilespmem:$0x110];
	_ =	sdelay $0x4  }
0x85: {  	vm10 =	vgt.f32 v2, $5.000000000e-01  }
0x86: {  	vm11 =	vmneg vm10  }
0x87: {  	v2 =	vsel vm11, $0x1, v1  }
0x88: {  	v3 =	vsel vm10, $0x1, v1;
	[tilespmem:v35+s7+$0x0] =	vst.idx.msk $0xffff, v2  }
0x89: {  	[tilespmem:v36+s7+$0x0] =	vst.idx.msk $0xffff, v3  }
0x8a: {  	v2 =	vld [tilespmem:$0x120];
	_ =	sdelay $0x4  }
0x8b: {  	vm12 =	vgt.f32 v2, $5.000000000e-01  }
0x8c: {  	vm13 =	vmneg vm12  }
0x8d: {  	v2 =	vsel vm13, $0x1, v1  }
0x8e: {  	v3 =	vsel vm12, $0x1, v1;
	[tilespmem:v37+s7+$0x0] =	vst.idx.msk $0xffff, v2  }
0x8f: {  	[tilespmem:v38+s7+$0x0] =	vst.idx.msk $0xffff, v3  }
0x90: {  	v2 =	vld [tilespmem:$0x130];
	_ =	sdelay $0x4  }
0x91: {  	vm14 =	vgt.f32 v2, $5.000000000e-01  }
0x92: {  	vm15 =	vmneg vm14  }
0x93: {  	v2 =	vsel vm15, $0x1, v1  }
0x94: {  	v3 =	vsel vm14, $0x1, v1;
	[tilespmem:v39+s7+$0x0] =	vst.idx.msk $0xffff, v2  }
0x95: {  	[tilespmem:v40+s7+$0x0] =	vst.idx.msk $0xffff, v3  }
0x96: {  	v2 =	vld [tilespmem:$0x140];
	_ =	sdelay $0x4  }
0x97: {  	vm4 =	vgt.f32 v2, $5.000000000e-01  }
0x98: {  	vm5 =	vmneg vm4  }
0x99: {  	v2 =	vsel vm5, $0x1, v1  }
0x9a: {  	v3 =	vsel vm4, $0x1, v1;
	[tilespmem:v41+s7+$0x0] =	vst.idx.msk $0xffff, v2  }
0x9b: {  	[tilespmem:v42+s7+$0x0] =	vst.idx.msk $0xffff, v3  }
0x9c: {  	v2 =	vld [tilespmem:$0x150];
	_ =	sdelay $0x4  }
0x9d: {  	vm6 =	vgt.f32 v2, $5.000000000e-01  }
0x9e: {  	vm7 =	vmneg vm6  }
0x9f: {  	v2 =	vsel vm7, $0x1, v1  }
0xa0: {  	v3 =	vsel vm6, $0x1, v1;
	[tilespmem:v43+s7+$0x0] =	vst.idx.msk $0xffff, v2  }
0xa1: {  	[tilespmem:v44+s7+$0x0] =	vst.idx.msk $0xffff, v3  }
0xa2: {  	v2 =	vld [tilespmem:$0x160];
	_ =	sdelay $0x4  }
0xa3: {  	vm8 =	vgt.f32 v2, $5.000000000e-01  }
0xa4: {  	vm9 =	vmneg vm8  }
0xa5: {  	v2 =	vsel vm9, $0x1, v1  }
0xa6: {  	v3 =	vsel vm8, $0x1, v1;
	[tilespmem:v45+s7+$0x0] =	vst.idx.msk $0xffff, v2  }
0xa7: {  	[tilespmem:v46+s7+$0x0] =	vst.idx.msk $0xffff, v3  }
0xa8: {  	v2 =	vld [tilespmem:$0x170];
	_ =	sdelay $0x4  }
0xa9: {  	vm10 =	vgt.f32 v2, $5.000000000e-01  }
0xaa: {  	vm11 =	vmneg vm10  }
0xab: {  	v2 =	vsel vm11, $0x1, v1  }
0xac: {  	v3 =	vsel vm10, $0x1, v1;
	[tilespmem:v47+s7+$0x0] =	vst.idx.msk $0xffff, v2  }
0xad: {  	[tilespmem:v48+s7+$0x0] =	vst.idx.msk $0xffff, v3  }
0xae: {  	v2 =	vld [tilespmem:$0x180];
	_ =	sdelay $0x4  }
0xaf: {  	vm12 =	vgt.f32 v2, $5.000000000e-01  }
0xb0: {  	vm13 =	vmneg vm12  }
0xb1: {  	v2 =	vsel vm13, $0x1, v1  }
0xb2: {  	v3 =	vsel vm12, $0x1, v1;
	[tilespmem:v49+s7+$0x0] =	vst.idx.msk $0xffff, v2  }
0xb3: {  	[tilespmem:v50+s7+$0x0] =	vst.idx.msk $0xffff, v3  }
0xb4: {  	v2 =	vld [tilespmem:$0x190];
	_ =	sdelay $0x4  }
0xb5: {  	vm14 =	vgt.f32 v2, $5.000000000e-01  }
0xb6: {  	vm15 =	vmneg vm14  }
0xb7: {  	v2 =	vsel vm15, $0x1, v1  }
0xb8: {  	v3 =	vsel vm14, $0x1, v1;
	[tilespmem:v51+s7+$0x0] =	vst.idx.msk $0xffff, v2  }
0xb9: {  	[tilespmem:v52+s7+$0x0] =	vst.idx.msk $0xffff, v3  }
0xba: {  	v2 =	vld [tilespmem:$0x1A0];
	_ =	sdelay $0x4  }
0xbb: {  	vm4 =	vgt.f32 v2, $5.000000000e-01  }
0xbc: {  	vm5 =	vmneg vm4  }
0xbd: {  	v2 =	vsel vm5, $0x1, v1  }
0xbe: {  	v3 =	vsel vm4, $0x1, v1;
	[tilespmem:v53+s7+$0x0] =	vst.idx.msk $0xffff, v2  }
0xbf: {  	[tilespmem:v54+s7+$0x0] =	vst.idx.msk $0xffff, v3  }
0xc0: {  	v2 =	vld [tilespmem:$0x1B0];
	_ =	sdelay $0x4  }
0xc1: {  	vm6 =	vgt.f32 v2, $5.000000000e-01  }
0xc2: {  	vm7 =	vmneg vm6  }
0xc3: {  	v2 =	vsel vm7, $0x1, v1  }
0xc4: {  	v3 =	vsel vm6, $0x1, v1;
	[tilespmem:v55+s7+$0x0] =	vst.idx.msk $0xffff, v2  }
0xc5: {  	[tilespmem:v56+s7+$0x0] =	vst.idx.msk $0xffff, v3  }
0xc6: {  	v2 =	vld [tilespmem:$0x1C0];
	_ =	sdelay $0x4  }
0xc7: {  	vm8 =	vgt.f32 v2, $5.000000000e-01  }
0xc8: {  	vm9 =	vmneg vm8  }
0xc9: {  	v2 =	vsel vm9, $0x1, v1  }
0xca: {  	v3 =	vsel vm8, $0x1, v1;
	[tilespmem:v57+s7+$0x0] =	vst.idx.msk $0xffff, v2  }
0xcb: {  	[tilespmem:v58+s7+$0x0] =	vst.idx.msk $0xffff, v3  }
0xcc: {  	v2 =	vld [tilespmem:$0x1D0];
	_ =	sdelay $0x4  }
0xcd: {  	vm10 =	vgt.f32 v2, $5.000000000e-01  }
0xce: {  	vm11 =	vmneg vm10  }
0xcf: {  	v2 =	vsel vm11, $0x1, v1  }
0xd0: {  	v3 =	vsel vm10, $0x1, v1;
	[tilespmem:v59+s7+$0x0] =	vst.idx.msk $0xffff, v2  }
0xd1: {  	[tilespmem:v60+s7+$0x0] =	vst.idx.msk $0xffff, v3  }
0xd2: {  	v2 =	vld [tilespmem:$0x1E0];
	_ =	sdelay $0x4  }
0xd3: {  	vm12 =	vgt.f32 v2, $5.000000000e-01  }
0xd4: {  	vm13 =	vmneg vm12  }
0xd5: {  	v2 =	vsel vm13, $0x1, v1  }
0xd6: {  	v3 =	vsel vm12, $0x1, v1;
	[tilespmem:v61+s7+$0x0] =	vst.idx.msk $0xffff, v2  }
0xd7: {  	[tilespmem:v62+s7+$0x0] =	vst.idx.msk $0xffff, v3  }
0xd8: {  	v2 =	vld [tilespmem:$0x1F0];
	_ =	sdelay $0x3  }
0xd9: {  	v3 =	vor.u32 $0x3E1, v0  }
0xda: {  	vm14 =	vgt.f32 v2, $5.000000000e-01  }
0xdb: {  	vm15 =	vmneg vm14  }
0xdc: {  	v2 =	vsel vm15, $0x1, v1  }
0xdd: {  	p0 =	sne.s32 s5, $0x1;
	[tilespmem:v63+s7+$0x0] =	vst.idx.msk $0xffff, v2;
	v2 =	vsel vm14, $0x1, v1  }
.Ltmp0:
0xde: {  	[tilespmem:v3+s7+$0x0] =	vst.idx.msk $0xffff, v2;
	(pc) =	sbr.rel @p0 .LBB2_1-.Ltmp0, $4  }
0xdf: {  	[hbm4b:s4+s2] =	stream.linear.scatter [tilespmem:s7], [sflag:$0x1], $0x400, $0x38;
	[tilespmem:$0x600] =	vst v63  }
0xe0: {  	_ =	swait.ge [sflag:s6], $0x400  }
0xe1: {  	[sflag:s6] =	ssyncset.done $0x0  }
0xe2: {  	s5 =	sadd.s32 $0xFFFFFFFF, s5;
	[sflag:s6] =	ssyncadd.s32 $0xFFFFFC00  }
0xe3: {  	_ =	sfence.sel $0x180000  }
0xe4: {  	[bflag:$0x0] =	sbarrier.arrive $0xFFFF  }
0xe5: {  	p0 =	sne.s32 s1, $0x0;
	_ =	strace $0x90000047  }
0xe6: {  	s0 =	sadd.s32 @!p0 $0x100000, s0;
	[bflag:$0x2] =	sbarrier.arrive $0xFFFF  }
0xe7: {  	[sflag:s0] =	ssyncadd.tile.s32 @!p0 $0x1;
	_ =	shalt  }
.Lfunc_end2:
_tile_overlayer_lowered:
.L_overlay_start_2:
0xe8: {  	(tag) =	ssettag $0x2  }
0xe9: {  	s0 =	rddreg [dreg:$0x0];
	s2 =	stileid.u32  }
0xea: {  	s1 =	rddreg [dreg:$0x1];
	p0 =	sne.s32 s2, $0x0  }
0xeb: {  	s3 =	rddreg [dreg:$0x2];
	[bflag:$0x3] =	sbarrier.arrive $0xFFFF;
	s2 =	simm.s32 @!p0 $0x1C01  }
0xec: {  	[timem:s3], [sflag:s2] =	dma.local @!p0 [hbm:s0], s1  }
0xed: {  	s0 =	simm.s32 @!p0 $0x1  }
0xee: {  	_ =	swait.ge @!p0 [sflag:s0], s1  }
0xef: {  	s1 =	ssub.s32 @!p0 $0x0, s1;
	[sflag:s0] =	ssyncset.done @!p0 $0x0  }
0xf0: {  	[sflag:s0] =	ssyncadd.s32 @!p0 s1  }
0xf1: {  	[bflag:$0x3] =	sbarrier.arrive $0xFFFF  }
0xf2: {  	_ =	shalt  }

</sc_bundles>
